<compile_context>
chip_gen: v7x
topology: tpu7x:2x2x1
jax: 0.10.2.dev20260603
libtpu: 0.0.44.dev20260713+nightly
codegen_flags: <defaults>
</compile_context>

<pallas_src>
import functools

import jax
import jax.numpy as jnp
from jax import lax
from jax.experimental import pallas as pl
from jax.experimental.pallas import tpu as pltpu
from jax.experimental.pallas import tpu_sc as plsc

_NBUF = 4


def _gather_kernel(n_per_w, chunk, n_chunks, idx_hbm, table_hbm, out_hbm,
                   ibuf, rbuf, si0, si1, si2, si3, sg0, sg1, sg2, sg3,
                   sw0, sw1, sw2, sw3):
    wid = lax.axis_index("s") * 2 + lax.axis_index("c")
    base = wid * n_per_w
    si = (si0, si1, si2, si3)
    sg = (sg0, sg1, sg2, sg3)
    sw = (sw0, sw1, sw2, sw3)

    def idx_start(c, b):
        pltpu.async_copy(idx_hbm.at[pl.ds(base + c * chunk, chunk)],
                         ibuf.at[b], si[b])

    def idx_wait(b):
        pltpu.make_async_copy(idx_hbm.at[pl.ds(0, chunk)], ibuf.at[b],
                              si[b]).wait()

    def gather_start(b):
        pltpu.async_copy(table_hbm.at[ibuf.at[b]], rbuf.at[b], sg[b])

    def gather_wait(b):
        pltpu.make_async_copy(table_hbm.at[ibuf.at[b]], rbuf.at[b],
                              sg[b]).wait()

    def wb_start(c, b):
        pltpu.async_copy(
            rbuf.at[b],
            out_hbm.at[pl.ds(base + c * chunk, chunk), 0], sw[b])

    def wb_wait(b):
        pltpu.make_async_copy(rbuf.at[b], out_hbm.at[pl.ds(0, chunk), 0],
                              sw[b]).wait()

    for b in range(_NBUF):
        idx_start(b, b)
    for b in range(_NBUF):
        idx_wait(b)
        gather_start(b)

    @pl.loop(0, n_chunks, step=_NBUF)
    def _(g):
        for k in range(_NBUF):
            b = k
            bprev = (k - 1) % _NBUF
            c = g + k
            gather_wait(b)
            wb_start(c, b)

            @pl.when(c + _NBUF < n_chunks)
            def _():
                idx_start(c + _NBUF, b)

            fire_ok = c + _NBUF - 1 < n_chunks
            if k == 0:
                fire_cond = jnp.logical_and(g >= 1, fire_ok)
            else:
                fire_cond = fire_ok

            @pl.when(fire_cond)
            def _():
                wb_wait(bprev)
                idx_wait(bprev)
                gather_start(bprev)

    for b in range(_NBUF):
        wb_wait(b)


def kernel(tokens, table):
    b, l = tokens.shape
    v, d = table.shape
    n = b * l
    idx = tokens.reshape(n).astype(jnp.int32) * 2
    table2 = jnp.pad(table, ((0, 0), (0, 128 - d))).reshape(2 * v, d)

    nw = 32
    n_per_w = n // nw
    chunk = 400
    n_chunks = n_per_w // chunk

    mesh = plsc.VectorSubcoreMesh(core_axis_name="c", subcore_axis_name="s")
    run = pl.kernel(
        functools.partial(_gather_kernel, n_per_w, chunk, n_chunks),
        mesh=mesh,
        out_type=jax.ShapeDtypeStruct((n, 2, d), jnp.float32),
        scratch_types=[
            pltpu.VMEM((_NBUF, chunk), jnp.int32),
            pltpu.VMEM((_NBUF, chunk, d), jnp.float32),
        ] + [pltpu.SemaphoreType.DMA] * (3 * _NBUF),
        compiler_params=pltpu.CompilerParams(use_tc_tiling_on_sc=False),
    )
    out = run(idx, table2)
    return out.reshape(b, l, 128)[:, :, :d]

# --- scband reference (transcript-rebuilt; emitter-appended) ---
"""Pipeline reference for scband-token-embedding-5145370821259 (READ-ONLY COPY).

The authoritative reference and input builder live on the scoring server;
editing this copy changes nothing except your own understanding.
"""

import jax, jax.numpy as jnp
import numpy as np

VOCAB = 1000000
EMB = 64
B = 4096
L = 200

def setup_inputs(seed: int = 0) -> dict:
    key = jax.random.key(seed)
    k_tok, k_tab = jax.random.split(key)
    tokens = jax.random.randint(k_tok, (B, L), 0, VOCAB, dtype=jnp.int64 if jax.config.jax_enable_x64 else jnp.int32)
    table = jax.random.normal(k_tab, (VOCAB, EMB), dtype=jnp.float32)
    return {"tokens": tokens, "table": table}

def reference(tokens, table):
    # TokenEmbedding.forward: return self.embedding(tokens)
    return jnp.take(table, tokens, axis=0)

if __name__ == "__main__":
    import jax
    _d = setup_inputs()
    print(jax.jit(kernel)(*tuple(_d.values())))

</pallas_src>

<mosaic_0001>
#map = affine_map<(d0, d1) -> (0)>
#map1 = affine_map<(d0, d1) -> (0, 0)>
#map2 = affine_map<(d0, d1) -> (0, 0, 0)>
module attributes {stable_mosaic.version = 14 : i64} {
  func.func @_gather_kernel(%arg0: i32, %arg1: i32, %arg2: memref<819200xi32, #tpu.memory_space<hbm>>, %arg3: memref<2000000x64xf32, #tpu.memory_space<hbm>>, %arg4: memref<819200x2x64xf32, #tpu.memory_space<hbm>>, %arg5: memref<4x400xi32, #tpu.memory_space<vmem>>, %arg6: memref<4x400x64xf32, #tpu.memory_space<vmem>>, %arg7: memref<!tpu.dma_semaphore, #tpu.memory_space<semaphore_mem>>, %arg8: memref<!tpu.dma_semaphore, #tpu.memory_space<semaphore_mem>>, %arg9: memref<!tpu.dma_semaphore, #tpu.memory_space<semaphore_mem>>, %arg10: memref<!tpu.dma_semaphore, #tpu.memory_space<semaphore_mem>>, %arg11: memref<!tpu.dma_semaphore, #tpu.memory_space<semaphore_mem>>, %arg12: memref<!tpu.dma_semaphore, #tpu.memory_space<semaphore_mem>>, %arg13: memref<!tpu.dma_semaphore, #tpu.memory_space<semaphore_mem>>, %arg14: memref<!tpu.dma_semaphore, #tpu.memory_space<semaphore_mem>>, %arg15: memref<!tpu.dma_semaphore, #tpu.memory_space<semaphore_mem>>, %arg16: memref<!tpu.dma_semaphore, #tpu.memory_space<semaphore_mem>>, %arg17: memref<!tpu.dma_semaphore, #tpu.memory_space<semaphore_mem>>, %arg18: memref<!tpu.dma_semaphore, #tpu.memory_space<semaphore_mem>>) attributes {dimension_semantics = [#tpu.dimension_semantics<core_parallel>, #tpu.dimension_semantics<subcore_parallel>], iteration_bounds = array<i64: 2, 16>, scalar_prefetch = 0 : i64, scratch_operands = 14 : i64, tpu.core_type = #tpu.core_type<sc_vector_subcore>, window_params = [{transform_indices = #map}, {transform_indices = #map1}, {transform_indices = #map2}]} {
    %mul3A = arith.constant 2 : i32
    %mul3A_0 = arith.muli %arg1, %mul3A : i32
    %add3A = arith.addi %mul3A_0, %arg0 : i32
    %mul3A_1 = arith.constant 25600 : i32
    %mul3A_2 = arith.muli %add3A, %mul3A_1 : i32
    %add3A_3 = arith.constant 0 : i32
    %add3A_4 = arith.addi %mul3A_2, %add3A_3 : i32
    %dma_start3A = arith.constant 0 : i32
    %dma_start3A_5 = arith.constant 0 : i32
    %dma_start3A_6 = tpu.memref_slice %arg5[%dma_start3A, %dma_start3A_5] : memref<4x400xi32, #tpu.memory_space<vmem>> -> memref<1x400xi32, #tpu.memory_space<vmem>>
    %dma_start3A_7 = tpu.memref_squeeze %dma_start3A_6 : memref<1x400xi32, #tpu.memory_space<vmem>> -> memref<400xi32, #tpu.memory_space<vmem>>
    %dma_start3A_8 = tpu.memref_slice %arg2[%add3A_4] : memref<819200xi32, #tpu.memory_space<hbm>> -> memref<400xi32, #tpu.memory_space<hbm>>
    %dma_start3A_9 = arith.constant 0 : i32
    %dma_start3A_10 = tpu.memref_slice %arg5[%dma_start3A, %dma_start3A_9] : memref<4x400xi32, #tpu.memory_space<vmem>> -> memref<1x400xi32, #tpu.memory_space<vmem>>
    %dma_start3A_11 = tpu.memref_squeeze %dma_start3A_10 : memref<1x400xi32, #tpu.memory_space<vmem>> -> memref<400xi32, #tpu.memory_space<vmem>>
    %dma_start3A_12 = tpu.memref_slice %arg2[%add3A_4] : memref<819200xi32, #tpu.memory_space<hbm>> -> memref<400xi32, #tpu.memory_space<hbm>>
    tpu.enqueue_dma source(%dma_start3A_12 : memref<400xi32, #tpu.memory_space<hbm>>) target(%dma_start3A_11 : memref<400xi32, #tpu.memory_space<vmem>>) target_semaphore(%arg7 : memref<!tpu.dma_semaphore, #tpu.memory_space<semaphore_mem>>)
    %add3A_13 = arith.constant 400 : i32
    %add3A_14 = arith.addi %mul3A_2, %add3A_13 : i32
    %dma_start3A_15 = arith.constant 1 : i32
    %dma_start3A_16 = arith.constant 0 : i32
    %dma_start3A_17 = tpu.memref_slice %arg5[%dma_start3A_15, %dma_start3A_16] : memref<4x400xi32, #tpu.memory_space<vmem>> -> memref<1x400xi32, #tpu.memory_space<vmem>>
    %dma_start3A_18 = tpu.memref_squeeze %dma_start3A_17 : memref<1x400xi32, #tpu.memory_space<vmem>> -> memref<400xi32, #tpu.memory_space<vmem>>
    %dma_start3A_19 = tpu.memref_slice %arg2[%add3A_14] : memref<819200xi32, #tpu.memory_space<hbm>> -> memref<400xi32, #tpu.memory_space<hbm>>
    %dma_start3A_20 = arith.constant 0 : i32
    %dma_start3A_21 = tpu.memref_slice %arg5[%dma_start3A_15, %dma_start3A_20] : memref<4x400xi32, #tpu.memory_space<vmem>> -> memref<1x400xi32, #tpu.memory_space<vmem>>
    %dma_start3A_22 = tpu.memref_squeeze %dma_start3A_21 : memref<1x400xi32, #tpu.memory_space<vmem>> -> memref<400xi32, #tpu.memory_space<vmem>>
    %dma_start3A_23 = tpu.memref_slice %arg2[%add3A_14] : memref<819200xi32, #tpu.memory_space<hbm>> -> memref<400xi32, #tpu.memory_space<hbm>>
    tpu.enqueue_dma source(%dma_start3A_23 : memref<400xi32, #tpu.memory_space<hbm>>) target(%dma_start3A_22 : memref<400xi32, #tpu.memory_space<vmem>>) target_semaphore(%arg8 : memref<!tpu.dma_semaphore, #tpu.memory_space<semaphore_mem>>)
    %add3A_24 = arith.constant 800 : i32
    %add3A_25 = arith.addi %mul3A_2, %add3A_24 : i32
    %dma_start3A_26 = arith.constant 2 : i32
    %dma_start3A_27 = arith.constant 0 : i32
    %dma_start3A_28 = tpu.memref_slice %arg5[%dma_start3A_26, %dma_start3A_27] : memref<4x400xi32, #tpu.memory_space<vmem>> -> memref<1x400xi32, #tpu.memory_space<vmem>>
    %dma_start3A_29 = tpu.memref_squeeze %dma_start3A_28 : memref<1x400xi32, #tpu.memory_space<vmem>> -> memref<400xi32, #tpu.memory_space<vmem>>
    %dma_start3A_30 = tpu.memref_slice %arg2[%add3A_25] : memref<819200xi32, #tpu.memory_space<hbm>> -> memref<400xi32, #tpu.memory_space<hbm>>
    %dma_start3A_31 = arith.constant 0 : i32
    %dma_start3A_32 = tpu.memref_slice %arg5[%dma_start3A_26, %dma_start3A_31] : memref<4x400xi32, #tpu.memory_space<vmem>> -> memref<1x400xi32, #tpu.memory_space<vmem>>
    %dma_start3A_33 = tpu.memref_squeeze %dma_start3A_32 : memref<1x400xi32, #tpu.memory_space<vmem>> -> memref<400xi32, #tpu.memory_space<vmem>>
    %dma_start3A_34 = tpu.memref_slice %arg2[%add3A_25] : memref<819200xi32, #tpu.memory_space<hbm>> -> memref<400xi32, #tpu.memory_space<hbm>>
    tpu.enqueue_dma source(%dma_start3A_34 : memref<400xi32, #tpu.memory_space<hbm>>) target(%dma_start3A_33 : memref<400xi32, #tpu.memory_space<vmem>>) target_semaphore(%arg9 : memref<!tpu.dma_semaphore, #tpu.memory_space<semaphore_mem>>)
    %add3A_35 = arith.constant 1200 : i32
    %add3A_36 = arith.addi %mul3A_2, %add3A_35 : i32
    %dma_start3A_37 = arith.constant 3 : i32
    %dma_start3A_38 = arith.constant 0 : i32
    %dma_start3A_39 = tpu.memref_slice %arg5[%dma_start3A_37, %dma_start3A_38] : memref<4x400xi32, #tpu.memory_space<vmem>> -> memref<1x400xi32, #tpu.memory_space<vmem>>
    %dma_start3A_40 = tpu.memref_squeeze %dma_start3A_39 : memref<1x400xi32, #tpu.memory_space<vmem>> -> memref<400xi32, #tpu.memory_space<vmem>>
    %dma_start3A_41 = tpu.memref_slice %arg2[%add3A_36] : memref<819200xi32, #tpu.memory_space<hbm>> -> memref<400xi32, #tpu.memory_space<hbm>>
    %dma_start3A_42 = arith.constant 0 : i32
    %dma_start3A_43 = tpu.memref_slice %arg5[%dma_start3A_37, %dma_start3A_42] : memref<4x400xi32, #tpu.memory_space<vmem>> -> memref<1x400xi32, #tpu.memory_space<vmem>>
    %dma_start3A_44 = tpu.memref_squeeze %dma_start3A_43 : memref<1x400xi32, #tpu.memory_space<vmem>> -> memref<400xi32, #tpu.memory_space<vmem>>
    %dma_start3A_45 = tpu.memref_slice %arg2[%add3A_36] : memref<819200xi32, #tpu.memory_space<hbm>> -> memref<400xi32, #tpu.memory_space<hbm>>
    tpu.enqueue_dma source(%dma_start3A_45 : memref<400xi32, #tpu.memory_space<hbm>>) target(%dma_start3A_44 : memref<400xi32, #tpu.memory_space<vmem>>) target_semaphore(%arg10 : memref<!tpu.dma_semaphore, #tpu.memory_space<semaphore_mem>>)
    %dma_wait3A = arith.constant 0 : i32
    %dma_wait3A_46 = arith.constant 0 : i32
    %dma_wait3A_47 = tpu.memref_slice %arg5[%dma_wait3A, %dma_wait3A_46] : memref<4x400xi32, #tpu.memory_space<vmem>> -> memref<1x400xi32, #tpu.memory_space<vmem>>
    %dma_wait3A_48 = tpu.memref_squeeze %dma_wait3A_47 : memref<1x400xi32, #tpu.memory_space<vmem>> -> memref<400xi32, #tpu.memory_space<vmem>>
    %dma_wait3A_49 = arith.constant 0 : i32
    %dma_wait3A_50 = tpu.memref_slice %arg2[%dma_wait3A_49] : memref<819200xi32, #tpu.memory_space<hbm>> -> memref<400xi32, #tpu.memory_space<hbm>>
    %dma_wait3A_51 = arith.constant 0 : i32
    %dma_wait3A_52 = tpu.memref_slice %arg5[%dma_wait3A, %dma_wait3A_51] : memref<4x400xi32, #tpu.memory_space<vmem>> -> memref<1x400xi32, #tpu.memory_space<vmem>>
    %dma_wait3A_53 = tpu.memref_squeeze %dma_wait3A_52 : memref<1x400xi32, #tpu.memory_space<vmem>> -> memref<400xi32, #tpu.memory_space<vmem>>
    %dma_wait3A_54 = arith.constant 0 : i32
    %dma_wait3A_55 = tpu.memref_slice %arg2[%dma_wait3A_54] : memref<819200xi32, #tpu.memory_space<hbm>> -> memref<400xi32, #tpu.memory_space<hbm>>
    tpu.wait_dma2 semaphore(%arg7 : memref<!tpu.dma_semaphore, #tpu.memory_space<semaphore_mem>>) src(%dma_wait3A_55 : memref<400xi32, #tpu.memory_space<hbm>>) dst(%dma_wait3A_53 : memref<400xi32, #tpu.memory_space<vmem>>)
    %dma_start3A_56 = arith.constant 0 : i32
    %dma_start3A_57 = arith.constant 0 : i32
    %dma_start3A_58 = arith.constant 0 : i32
    %dma_start3A_59 = arith.constant 0 : i32
    %dma_start3A_60 = tpu.memref_slice %arg6[%dma_start3A_57, %dma_start3A_58, %dma_start3A_59] : memref<4x400x64xf32, #tpu.memory_space<vmem>> -> memref<1x400x64xf32, #tpu.memory_space<vmem>>
    %dma_start3A_61 = tpu.memref_squeeze %dma_start3A_60 : memref<1x400x64xf32, #tpu.memory_space<vmem>> -> memref<400x64xf32, #tpu.memory_space<vmem>>
    %dma_start3A_62 = arith.constant 0 : i32
    %dma_start3A_63 = tpu.memref_slice %arg5[%dma_start3A_56, %dma_start3A_62] : memref<4x400xi32, #tpu.memory_space<vmem>> -> memref<1x400xi32, #tpu.memory_space<vmem>>
    %dma_start3A_64 = tpu.memref_squeeze %dma_start3A_63 : memref<1x400xi32, #tpu.memory_space<vmem>> -> memref<400xi32, #tpu.memory_space<vmem>>
    %dma_start3A_65 = arith.constant 0 : i32
    %dma_start3A_66 = arith.constant 0 : i32
    %dma_start3A_67 = tpu.memref_slice %arg3[%dma_start3A_65, %dma_start3A_66] : memref<2000000x64xf32, #tpu.memory_space<hbm>> -> memref<2000000x64xf32, #tpu.memory_space<hbm>>
    tpu.enqueue_indirect_dma source(%dma_start3A_67 : memref<2000000x64xf32, #tpu.memory_space<hbm>>) target(%dma_start3A_61 : memref<400x64xf32, #tpu.memory_space<vmem>>) offsets(%dma_start3A_64 : memref<400xi32, #tpu.memory_space<vmem>>) semaphore(%arg11 : memref<!tpu.dma_semaphore, #tpu.memory_space<semaphore_mem>>)
    %dma_wait3A_68 = arith.constant 1 : i32
    %dma_wait3A_69 = arith.constant 0 : i32
    %dma_wait3A_70 = tpu.memref_slice %arg5[%dma_wait3A_68, %dma_wait3A_69] : memref<4x400xi32, #tpu.memory_space<vmem>> -> memref<1x400xi32, #tpu.memory_space<vmem>>
    %dma_wait3A_71 = tpu.memref_squeeze %dma_wait3A_70 : memref<1x400xi32, #tpu.memory_space<vmem>> -> memref<400xi32, #tpu.memory_space<vmem>>
    %dma_wait3A_72 = arith.constant 0 : i32
    %dma_wait3A_73 = tpu.memref_slice %arg2[%dma_wait3A_72] : memref<819200xi32, #tpu.memory_space<hbm>> -> memref<400xi32, #tpu.memory_space<hbm>>
    %dma_wait3A_74 = arith.constant 0 : i32
    %dma_wait3A_75 = tpu.memref_slice %arg5[%dma_wait3A_68, %dma_wait3A_74] : memref<4x400xi32, #tpu.memory_space<vmem>> -> memref<1x400xi32, #tpu.memory_space<vmem>>
    %dma_wait3A_76 = tpu.memref_squeeze %dma_wait3A_75 : memref<1x400xi32, #tpu.memory_space<vmem>> -> memref<400xi32, #tpu.memory_space<vmem>>
    %dma_wait3A_77 = arith.constant 0 : i32
    %dma_wait3A_78 = tpu.memref_slice %arg2[%dma_wait3A_77] : memref<819200xi32, #tpu.memory_space<hbm>> -> memref<400xi32, #tpu.memory_space<hbm>>
    tpu.wait_dma2 semaphore(%arg8 : memref<!tpu.dma_semaphore, #tpu.memory_space<semaphore_mem>>) src(%dma_wait3A_78 : memref<400xi32, #tpu.memory_space<hbm>>) dst(%dma_wait3A_76 : memref<400xi32, #tpu.memory_space<vmem>>)
    %dma_start3A_79 = arith.constant 1 : i32
    %dma_start3A_80 = arith.constant 1 : i32
    %dma_start3A_81 = arith.constant 0 : i32
    %dma_start3A_82 = arith.constant 0 : i32
    %dma_start3A_83 = tpu.memref_slice %arg6[%dma_start3A_80, %dma_start3A_81, %dma_start3A_82] : memref<4x400x64xf32, #tpu.memory_space<vmem>> -> memref<1x400x64xf32, #tpu.memory_space<vmem>>
    %dma_start3A_84 = tpu.memref_squeeze %dma_start3A_83 : memref<1x400x64xf32, #tpu.memory_space<vmem>> -> memref<400x64xf32, #tpu.memory_space<vmem>>
    %dma_start3A_85 = arith.constant 0 : i32
    %dma_start3A_86 = tpu.memref_slice %arg5[%dma_start3A_79, %dma_start3A_85] : memref<4x400xi32, #tpu.memory_space<vmem>> -> memref<1x400xi32, #tpu.memory_space<vmem>>
    %dma_start3A_87 = tpu.memref_squeeze %dma_start3A_86 : memref<1x400xi32, #tpu.memory_space<vmem>> -> memref<400xi32, #tpu.memory_space<vmem>>
    %dma_start3A_88 = arith.constant 0 : i32
    %dma_start3A_89 = arith.constant 0 : i32
    %dma_start3A_90 = tpu.memref_slice %arg3[%dma_start3A_88, %dma_start3A_89] : memref<2000000x64xf32, #tpu.memory_space<hbm>> -> memref<2000000x64xf32, #tpu.memory_space<hbm>>
    tpu.enqueue_indirect_dma source(%dma_start3A_90 : memref<2000000x64xf32, #tpu.memory_space<hbm>>) target(%dma_start3A_84 : memref<400x64xf32, #tpu.memory_space<vmem>>) offsets(%dma_start3A_87 : memref<400xi32, #tpu.memory_space<vmem>>) semaphore(%arg12 : memref<!tpu.dma_semaphore, #tpu.memory_space<semaphore_mem>>)
    %dma_wait3A_91 = arith.constant 2 : i32
    %dma_wait3A_92 = arith.constant 0 : i32
    %dma_wait3A_93 = tpu.memref_slice %arg5[%dma_wait3A_91, %dma_wait3A_92] : memref<4x400xi32, #tpu.memory_space<vmem>> -> memref<1x400xi32, #tpu.memory_space<vmem>>
    %dma_wait3A_94 = tpu.memref_squeeze %dma_wait3A_93 : memref<1x400xi32, #tpu.memory_space<vmem>> -> memref<400xi32, #tpu.memory_space<vmem>>
    %dma_wait3A_95 = arith.constant 0 : i32
    %dma_wait3A_96 = tpu.memref_slice %arg2[%dma_wait3A_95] : memref<819200xi32, #tpu.memory_space<hbm>> -> memref<400xi32, #tpu.memory_space<hbm>>
    %dma_wait3A_97 = arith.constant 0 : i32
    %dma_wait3A_98 = tpu.memref_slice %arg5[%dma_wait3A_91, %dma_wait3A_97] : memref<4x400xi32, #tpu.memory_space<vmem>> -> memref<1x400xi32, #tpu.memory_space<vmem>>
    %dma_wait3A_99 = tpu.memref_squeeze %dma_wait3A_98 : memref<1x400xi32, #tpu.memory_space<vmem>> -> memref<400xi32, #tpu.memory_space<vmem>>
    %dma_wait3A_100 = arith.constant 0 : i32
    %dma_wait3A_101 = tpu.memref_slice %arg2[%dma_wait3A_100] : memref<819200xi32, #tpu.memory_space<hbm>> -> memref<400xi32, #tpu.memory_space<hbm>>
    tpu.wait_dma2 semaphore(%arg9 : memref<!tpu.dma_semaphore, #tpu.memory_space<semaphore_mem>>) src(%dma_wait3A_101 : memref<400xi32, #tpu.memory_space<hbm>>) dst(%dma_wait3A_99 : memref<400xi32, #tpu.memory_space<vmem>>)
    %dma_start3A_102 = arith.constant 2 : i32
    %dma_start3A_103 = arith.constant 2 : i32
    %dma_start3A_104 = arith.constant 0 : i32
    %dma_start3A_105 = arith.constant 0 : i32
    %dma_start3A_106 = tpu.memref_slice %arg6[%dma_start3A_103, %dma_start3A_104, %dma_start3A_105] : memref<4x400x64xf32, #tpu.memory_space<vmem>> -> memref<1x400x64xf32, #tpu.memory_space<vmem>>
    %dma_start3A_107 = tpu.memref_squeeze %dma_start3A_106 : memref<1x400x64xf32, #tpu.memory_space<vmem>> -> memref<400x64xf32, #tpu.memory_space<vmem>>
    %dma_start3A_108 = arith.constant 0 : i32
    %dma_start3A_109 = tpu.memref_slice %arg5[%dma_start3A_102, %dma_start3A_108] : memref<4x400xi32, #tpu.memory_space<vmem>> -> memref<1x400xi32, #tpu.memory_space<vmem>>
    %dma_start3A_110 = tpu.memref_squeeze %dma_start3A_109 : memref<1x400xi32, #tpu.memory_space<vmem>> -> memref<400xi32, #tpu.memory_space<vmem>>
    %dma_start3A_111 = arith.constant 0 : i32
    %dma_start3A_112 = arith.constant 0 : i32
    %dma_start3A_113 = tpu.memref_slice %arg3[%dma_start3A_111, %dma_start3A_112] : memref<2000000x64xf32, #tpu.memory_space<hbm>> -> memref<2000000x64xf32, #tpu.memory_space<hbm>>
    tpu.enqueue_indirect_dma source(%dma_start3A_113 : memref<2000000x64xf32, #tpu.memory_space<hbm>>) target(%dma_start3A_107 : memref<400x64xf32, #tpu.memory_space<vmem>>) offsets(%dma_start3A_110 : memref<400xi32, #tpu.memory_space<vmem>>) semaphore(%arg13 : memref<!tpu.dma_semaphore, #tpu.memory_space<semaphore_mem>>)
    %dma_wait3A_114 = arith.constant 3 : i32
    %dma_wait3A_115 = arith.constant 0 : i32
    %dma_wait3A_116 = tpu.memref_slice %arg5[%dma_wait3A_114, %dma_wait3A_115] : memref<4x400xi32, #tpu.memory_space<vmem>> -> memref<1x400xi32, #tpu.memory_space<vmem>>
    %dma_wait3A_117 = tpu.memref_squeeze %dma_wait3A_116 : memref<1x400xi32, #tpu.memory_space<vmem>> -> memref<400xi32, #tpu.memory_space<vmem>>
    %dma_wait3A_118 = arith.constant 0 : i32
    %dma_wait3A_119 = tpu.memref_slice %arg2[%dma_wait3A_118] : memref<819200xi32, #tpu.memory_space<hbm>> -> memref<400xi32, #tpu.memory_space<hbm>>
    %dma_wait3A_120 = arith.constant 0 : i32
    %dma_wait3A_121 = tpu.memref_slice %arg5[%dma_wait3A_114, %dma_wait3A_120] : memref<4x400xi32, #tpu.memory_space<vmem>> -> memref<1x400xi32, #tpu.memory_space<vmem>>
    %dma_wait3A_122 = tpu.memref_squeeze %dma_wait3A_121 : memref<1x400xi32, #tpu.memory_space<vmem>> -> memref<400xi32, #tpu.memory_space<vmem>>
    %dma_wait3A_123 = arith.constant 0 : i32
    %dma_wait3A_124 = tpu.memref_slice %arg2[%dma_wait3A_123] : memref<819200xi32, #tpu.memory_space<hbm>> -> memref<400xi32, #tpu.memory_space<hbm>>
    tpu.wait_dma2 semaphore(%arg10 : memref<!tpu.dma_semaphore, #tpu.memory_space<semaphore_mem>>) src(%dma_wait3A_124 : memref<400xi32, #tpu.memory_space<hbm>>) dst(%dma_wait3A_122 : memref<400xi32, #tpu.memory_space<vmem>>)
    %dma_start3A_125 = arith.constant 3 : i32
    %dma_start3A_126 = arith.constant 3 : i32
    %dma_start3A_127 = arith.constant 0 : i32
    %dma_start3A_128 = arith.constant 0 : i32
    %dma_start3A_129 = tpu.memref_slice %arg6[%dma_start3A_126, %dma_start3A_127, %dma_start3A_128] : memref<4x400x64xf32, #tpu.memory_space<vmem>> -> memref<1x400x64xf32, #tpu.memory_space<vmem>>
    %dma_start3A_130 = tpu.memref_squeeze %dma_start3A_129 : memref<1x400x64xf32, #tpu.memory_space<vmem>> -> memref<400x64xf32, #tpu.memory_space<vmem>>
    %dma_start3A_131 = arith.constant 0 : i32
    %dma_start3A_132 = tpu.memref_slice %arg5[%dma_start3A_125, %dma_start3A_131] : memref<4x400xi32, #tpu.memory_space<vmem>> -> memref<1x400xi32, #tpu.memory_space<vmem>>
    %dma_start3A_133 = tpu.memref_squeeze %dma_start3A_132 : memref<1x400xi32, #tpu.memory_space<vmem>> -> memref<400xi32, #tpu.memory_space<vmem>>
    %dma_start3A_134 = arith.constant 0 : i32
    %dma_start3A_135 = arith.constant 0 : i32
    %dma_start3A_136 = tpu.memref_slice %arg3[%dma_start3A_134, %dma_start3A_135] : memref<2000000x64xf32, #tpu.memory_space<hbm>> -> memref<2000000x64xf32, #tpu.memory_space<hbm>>
    tpu.enqueue_indirect_dma source(%dma_start3A_136 : memref<2000000x64xf32, #tpu.memory_space<hbm>>) target(%dma_start3A_130 : memref<400x64xf32, #tpu.memory_space<vmem>>) offsets(%dma_start3A_133 : memref<400xi32, #tpu.memory_space<vmem>>) semaphore(%arg14 : memref<!tpu.dma_semaphore, #tpu.memory_space<semaphore_mem>>)
    %scan3A = arith.constant 0 : i32
    %scan3A_137 = arith.constant 16 : i32
    %scan3A_138 = arith.addi %scan3A, %scan3A_137 : i32
    %scan3A_139 = arith.constant 1 : i32
    scf.for %scan3A_213 = %scan3A to %scan3A_138 step %scan3A_139  : i32 {
      %mul3A_214 = arith.constant 4 : i32
      %mul3A_215 = arith.muli %scan3A_213, %mul3A_214 : i32
      %add3A_216 = arith.constant 0 : i32
      %add3A_217 = arith.addi %add3A_216, %mul3A_215 : i32
      %add3A_218 = arith.constant 0 : i32
      %add3A_219 = arith.addi %add3A_217, %add3A_218 : i32
      %dma_wait3A_220 = arith.constant 0 : i32
      %dma_wait3A_221 = arith.constant 0 : i32
      %dma_wait3A_222 = arith.constant 0 : i32
      %dma_wait3A_223 = arith.constant 0 : i32
      %dma_wait3A_224 = tpu.memref_slice %arg6[%dma_wait3A_221, %dma_wait3A_222, %dma_wait3A_223] : memref<4x400x64xf32, #tpu.memory_space<vmem>> -> memref<1x400x64xf32, #tpu.memory_space<vmem>>
      %dma_wait3A_225 = tpu.memref_squeeze %dma_wait3A_224 : memref<1x400x64xf32, #tpu.memory_space<vmem>> -> memref<400x64xf32, #tpu.memory_space<vmem>>
      %dma_wait3A_226 = arith.constant 0 : i32
      %dma_wait3A_227 = tpu.memref_slice %arg5[%dma_wait3A_220, %dma_wait3A_226] : memref<4x400xi32, #tpu.memory_space<vmem>> -> memref<1x400xi32, #tpu.memory_space<vmem>>
      %dma_wait3A_228 = tpu.memref_squeeze %dma_wait3A_227 : memref<1x400xi32, #tpu.memory_space<vmem>> -> memref<400xi32, #tpu.memory_space<vmem>>
      %dma_wait3A_229 = arith.constant 0 : i32
      %dma_wait3A_230 = arith.constant 0 : i32
      %dma_wait3A_231 = tpu.memref_slice %arg3[%dma_wait3A_229, %dma_wait3A_230] : memref<2000000x64xf32, #tpu.memory_space<hbm>> -> memref<2000000x64xf32, #tpu.memory_space<hbm>>
      tpu.wait_indirect_dma semaphore(%arg11 : memref<!tpu.dma_semaphore, #tpu.memory_space<semaphore_mem>>) src(%dma_wait3A_231 : memref<2000000x64xf32, #tpu.memory_space<hbm>>) dst(%dma_wait3A_225 : memref<400x64xf32, #tpu.memory_space<vmem>>)
      %mul3A_232 = arith.constant 400 : i32
      %mul3A_233 = arith.muli %add3A_219, %mul3A_232 : i32
      %add3A_234 = arith.addi %mul3A_2, %mul3A_233 : i32
      %dma_start3A_235 = arith.constant 0 : i32
      %dma_start3A_236 = arith.constant 0 : i32
      %dma_start3A_237 = arith.constant 0 : i32
      %dma_start3A_238 = arith.constant 0 : i32
      %dma_start3A_239 = tpu.memref_slice %arg6[%dma_start3A_235, %dma_start3A_237, %dma_start3A_238] : memref<4x400x64xf32, #tpu.memory_space<vmem>> -> memref<1x400x64xf32, #tpu.memory_space<vmem>>
      %dma_start3A_240 = tpu.memref_squeeze %dma_start3A_239 : memref<1x400x64xf32, #tpu.memory_space<vmem>> -> memref<400x64xf32, #tpu.memory_space<vmem>>
      %dma_start3A_241 = arith.constant 0 : i32
      %dma_start3A_242 = tpu.memref_slice %arg4[%add3A_234, %dma_start3A_236, %dma_start3A_241] : memref<819200x2x64xf32, #tpu.memory_space<hbm>> -> memref<400x1x64xf32, #tpu.memory_space<hbm>>
      %dma_start3A_243 = tpu.memref_squeeze %dma_start3A_242 : memref<400x1x64xf32, #tpu.memory_space<hbm>> -> memref<400x64xf32, #tpu.memory_space<hbm>>
      %dma_start3A_244 = arith.constant 0 : i32
      %dma_start3A_245 = tpu.memref_slice %arg4[%add3A_234, %dma_start3A_236, %dma_start3A_244] : memref<819200x2x64xf32, #tpu.memory_space<hbm>> -> memref<400x1x64xf32, #tpu.memory_space<hbm>>
      %dma_start3A_246 = tpu.memref_squeeze %dma_start3A_245 : memref<400x1x64xf32, #tpu.memory_space<hbm>> -> memref<400x64xf32, #tpu.memory_space<hbm>>
      %dma_start3A_247 = arith.constant 0 : i32
      %dma_start3A_248 = arith.constant 0 : i32
      %dma_start3A_249 = tpu.memref_slice %arg6[%dma_start3A_235, %dma_start3A_247, %dma_start3A_248] : memref<4x400x64xf32, #tpu.memory_space<vmem>> -> memref<1x400x64xf32, #tpu.memory_space<vmem>>
      %dma_start3A_250 = tpu.memref_squeeze %dma_start3A_249 : memref<1x400x64xf32, #tpu.memory_space<vmem>> -> memref<400x64xf32, #tpu.memory_space<vmem>>
      tpu.enqueue_dma source(%dma_start3A_250 : memref<400x64xf32, #tpu.memory_space<vmem>>) target(%dma_start3A_246 : memref<400x64xf32, #tpu.memory_space<hbm>>) target_semaphore(%arg15 : memref<!tpu.dma_semaphore, #tpu.memory_space<semaphore_mem>>)
      %add3A_251 = arith.constant 4 : i32
      %add3A_252 = arith.addi %add3A_219, %add3A_251 : i32
      %lt3A = arith.constant 64 : i32
      %lt3A_253 = arith.cmpi slt, %add3A_252, %lt3A : i32
      %convert_element_type3A = arith.extui %lt3A_253 : i1 to i32
      %cond3A = arith.constant 0 : i32
      %cond3A_254 = arith.cmpi ne, %convert_element_type3A, %cond3A : i32
      scf.if %cond3A_254 {
        %add3A_411 = arith.constant 4 : i32
        %add3A_412 = arith.addi %add3A_219, %add3A_411 : i32
        %mul3A_413 = arith.constant 400 : i32
        %mul3A_414 = arith.muli %add3A_412, %mul3A_413 : i32
        %add3A_415 = arith.addi %mul3A_2, %mul3A_414 : i32
        %dma_start3A_416 = arith.constant 0 : i32
        %dma_start3A_417 = arith.constant 0 : i32
        %dma_start3A_418 = tpu.memref_slice %arg5[%dma_start3A_416, %dma_start3A_417] : memref<4x400xi32, #tpu.memory_space<vmem>> -> memref<1x400xi32, #tpu.memory_space<vmem>>
        %dma_start3A_419 = tpu.memref_squeeze %dma_start3A_418 : memref<1x400xi32, #tpu.memory_space<vmem>> -> memref<400xi32, #tpu.memory_space<vmem>>
        %dma_start3A_420 = tpu.memref_slice %arg2[%add3A_415] : memref<819200xi32, #tpu.memory_space<hbm>> -> memref<400xi32, #tpu.memory_space<hbm>>
        %dma_start3A_421 = arith.constant 0 : i32
        %dma_start3A_422 = tpu.memref_slice %arg5[%dma_start3A_416, %dma_start3A_421] : memref<4x400xi32, #tpu.memory_space<vmem>> -> memref<1x400xi32, #tpu.memory_space<vmem>>
        %dma_start3A_423 = tpu.memref_squeeze %dma_start3A_422 : memref<1x400xi32, #tpu.memory_space<vmem>> -> memref<400xi32, #tpu.memory_space<vmem>>
        %dma_start3A_424 = tpu.memref_slice %arg2[%add3A_415] : memref<819200xi32, #tpu.memory_space<hbm>> -> memref<400xi32, #tpu.memory_space<hbm>>
        tpu.enqueue_dma source(%dma_start3A_424 : memref<400xi32, #tpu.memory_space<hbm>>) target(%dma_start3A_423 : memref<400xi32, #tpu.memory_space<vmem>>) target_semaphore(%arg7 : memref<!tpu.dma_semaphore, #tpu.memory_space<semaphore_mem>>)
      } else {
      }
      %add3A_255 = arith.constant 4 : i32
      %add3A_256 = arith.addi %add3A_219, %add3A_255 : i32
      %sub3A = arith.constant 1 : i32
      %sub3A_257 = arith.subi %add3A_256, %sub3A : i32
      %lt3A_258 = arith.constant 64 : i32
      %lt3A_259 = arith.cmpi slt, %sub3A_257, %lt3A_258 : i32
      %ge3A = arith.constant 1 : i32
      %ge3A_260 = arith.cmpi sge, %add3A_217, %ge3A : i32
      %and3A = arith.andi %ge3A_260, %lt3A_259 : i1
      %convert_element_type3A_261 = arith.extui %and3A : i1 to i32
      %cond3A_262 = arith.constant 0 : i32
      %cond3A_263 = arith.cmpi ne, %convert_element_type3A_261, %cond3A_262 : i32
      scf.if %cond3A_263 {
        %dma_wait3A_411 = arith.constant 3 : i32
        %dma_wait3A_412 = arith.constant 0 : i32
        %dma_wait3A_413 = arith.constant 0 : i32
        %dma_wait3A_414 = arith.constant 0 : i32
        %dma_wait3A_415 = tpu.memref_slice %arg6[%dma_wait3A_411, %dma_wait3A_413, %dma_wait3A_414] : memref<4x400x64xf32, #tpu.memory_space<vmem>> -> memref<1x400x64xf32, #tpu.memory_space<vmem>>
        %dma_wait3A_416 = tpu.memref_squeeze %dma_wait3A_415 : memref<1x400x64xf32, #tpu.memory_space<vmem>> -> memref<400x64xf32, #tpu.memory_space<vmem>>
        %dma_wait3A_417 = arith.constant 0 : i32
        %dma_wait3A_418 = arith.constant 0 : i32
        %dma_wait3A_419 = tpu.memref_slice %arg4[%dma_wait3A_417, %dma_wait3A_412, %dma_wait3A_418] : memref<819200x2x64xf32, #tpu.memory_space<hbm>> -> memref<400x1x64xf32, #tpu.memory_space<hbm>>
        %dma_wait3A_420 = tpu.memref_squeeze %dma_wait3A_419 : memref<400x1x64xf32, #tpu.memory_space<hbm>> -> memref<400x64xf32, #tpu.memory_space<hbm>>
        %dma_wait3A_421 = arith.constant 0 : i32
        %dma_wait3A_422 = arith.constant 0 : i32
        %dma_wait3A_423 = tpu.memref_slice %arg4[%dma_wait3A_421, %dma_wait3A_412, %dma_wait3A_422] : memref<819200x2x64xf32, #tpu.memory_space<hbm>> -> memref<400x1x64xf32, #tpu.memory_space<hbm>>
        %dma_wait3A_424 = tpu.memref_squeeze %dma_wait3A_423 : memref<400x1x64xf32, #tpu.memory_space<hbm>> -> memref<400x64xf32, #tpu.memory_space<hbm>>
        %dma_wait3A_425 = arith.constant 0 : i32
        %dma_wait3A_426 = arith.constant 0 : i32
        %dma_wait3A_427 = tpu.memref_slice %arg6[%dma_wait3A_411, %dma_wait3A_425, %dma_wait3A_426] : memref<4x400x64xf32, #tpu.memory_space<vmem>> -> memref<1x400x64xf32, #tpu.memory_space<vmem>>
        %dma_wait3A_428 = tpu.memref_squeeze %dma_wait3A_427 : memref<1x400x64xf32, #tpu.memory_space<vmem>> -> memref<400x64xf32, #tpu.memory_space<vmem>>
        tpu.wait_dma2 semaphore(%arg18 : memref<!tpu.dma_semaphore, #tpu.memory_space<semaphore_mem>>) src(%dma_wait3A_428 : memref<400x64xf32, #tpu.memory_space<vmem>>) dst(%dma_wait3A_424 : memref<400x64xf32, #tpu.memory_space<hbm>>)
        %dma_wait3A_429 = arith.constant 3 : i32
        %dma_wait3A_430 = arith.constant 0 : i32
        %dma_wait3A_431 = tpu.memref_slice %arg5[%dma_wait3A_429, %dma_wait3A_430] : memref<4x400xi32, #tpu.memory_space<vmem>> -> memref<1x400xi32, #tpu.memory_space<vmem>>
        %dma_wait3A_432 = tpu.memref_squeeze %dma_wait3A_431 : memref<1x400xi32, #tpu.memory_space<vmem>> -> memref<400xi32, #tpu.memory_space<vmem>>
        %dma_wait3A_433 = arith.constant 0 : i32
        %dma_wait3A_434 = tpu.memref_slice %arg2[%dma_wait3A_433] : memref<819200xi32, #tpu.memory_space<hbm>> -> memref<400xi32, #tpu.memory_space<hbm>>
        %dma_wait3A_435 = arith.constant 0 : i32
        %dma_wait3A_436 = tpu.memref_slice %arg5[%dma_wait3A_429, %dma_wait3A_435] : memref<4x400xi32, #tpu.memory_space<vmem>> -> memref<1x400xi32, #tpu.memory_space<vmem>>
        %dma_wait3A_437 = tpu.memref_squeeze %dma_wait3A_436 : memref<1x400xi32, #tpu.memory_space<vmem>> -> memref<400xi32, #tpu.memory_space<vmem>>
        %dma_wait3A_438 = arith.constant 0 : i32
        %dma_wait3A_439 = tpu.memref_slice %arg2[%dma_wait3A_438] : memref<819200xi32, #tpu.memory_space<hbm>> -> memref<400xi32, #tpu.memory_space<hbm>>
        tpu.wait_dma2 semaphore(%arg10 : memref<!tpu.dma_semaphore, #tpu.memory_space<semaphore_mem>>) src(%dma_wait3A_439 : memref<400xi32, #tpu.memory_space<hbm>>) dst(%dma_wait3A_437 : memref<400xi32, #tpu.memory_space<vmem>>)
        %dma_start3A_440 = arith.constant 3 : i32
        %dma_start3A_441 = arith.constant 3 : i32
        %dma_start3A_442 = arith.constant 0 : i32
        %dma_start3A_443 = arith.constant 0 : i32
        %dma_start3A_444 = tpu.memref_slice %arg6[%dma_start3A_441, %dma_start3A_442, %dma_start3A_443] : memref<4x400x64xf32, #tpu.memory_space<vmem>> -> memref<1x400x64xf32, #tpu.memory_space<vmem>>
        %dma_start3A_445 = tpu.memref_squeeze %dma_start3A_444 : memref<1x400x64xf32, #tpu.memory_space<vmem>> -> memref<400x64xf32, #tpu.memory_space<vmem>>
        %dma_start3A_446 = arith.constant 0 : i32
        %dma_start3A_447 = tpu.memref_slice %arg5[%dma_start3A_440, %dma_start3A_446] : memref<4x400xi32, #tpu.memory_space<vmem>> -> memref<1x400xi32, #tpu.memory_space<vmem>>
        %dma_start3A_448 = tpu.memref_squeeze %dma_start3A_447 : memref<1x400xi32, #tpu.memory_space<vmem>> -> memref<400xi32, #tpu.memory_space<vmem>>
        %dma_start3A_449 = arith.constant 0 : i32
        %dma_start3A_450 = arith.constant 0 : i32
        %dma_start3A_451 = tpu.memref_slice %arg3[%dma_start3A_449, %dma_start3A_450] : memref<2000000x64xf32, #tpu.memory_space<hbm>> -> memref<2000000x64xf32, #tpu.memory_space<hbm>>
        tpu.enqueue_indirect_dma source(%dma_start3A_451 : memref<2000000x64xf32, #tpu.memory_space<hbm>>) target(%dma_start3A_445 : memref<400x64xf32, #tpu.memory_space<vmem>>) offsets(%dma_start3A_448 : memref<400xi32, #tpu.memory_space<vmem>>) semaphore(%arg14 : memref<!tpu.dma_semaphore, #tpu.memory_space<semaphore_mem>>)
      } else {
      }
      %add3A_264 = arith.constant 1 : i32
      %add3A_265 = arith.addi %add3A_217, %add3A_264 : i32
      %dma_wait3A_266 = arith.constant 1 : i32
      %dma_wait3A_267 = arith.constant 1 : i32
      %dma_wait3A_268 = arith.constant 0 : i32
      %dma_wait3A_269 = arith.constant 0 : i32
      %dma_wait3A_270 = tpu.memref_slice %arg6[%dma_wait3A_267, %dma_wait3A_268, %dma_wait3A_269] : memref<4x400x64xf32, #tpu.memory_space<vmem>> -> memref<1x400x64xf32, #tpu.memory_space<vmem>>
      %dma_wait3A_271 = tpu.memref_squeeze %dma_wait3A_270 : memref<1x400x64xf32, #tpu.memory_space<vmem>> -> memref<400x64xf32, #tpu.memory_space<vmem>>
      %dma_wait3A_272 = arith.constant 0 : i32
      %dma_wait3A_273 = tpu.memref_slice %arg5[%dma_wait3A_266, %dma_wait3A_272] : memref<4x400xi32, #tpu.memory_space<vmem>> -> memref<1x400xi32, #tpu.memory_space<vmem>>
      %dma_wait3A_274 = tpu.memref_squeeze %dma_wait3A_273 : memref<1x400xi32, #tpu.memory_space<vmem>> -> memref<400xi32, #tpu.memory_space<vmem>>
      %dma_wait3A_275 = arith.constant 0 : i32
      %dma_wait3A_276 = arith.constant 0 : i32
      %dma_wait3A_277 = tpu.memref_slice %arg3[%dma_wait3A_275, %dma_wait3A_276] : memref<2000000x64xf32, #tpu.memory_space<hbm>> -> memref<2000000x64xf32, #tpu.memory_space<hbm>>
      tpu.wait_indirect_dma semaphore(%arg12 : memref<!tpu.dma_semaphore, #tpu.memory_space<semaphore_mem>>) src(%dma_wait3A_277 : memref<2000000x64xf32, #tpu.memory_space<hbm>>) dst(%dma_wait3A_271 : memref<400x64xf32, #tpu.memory_space<vmem>>)
      %mul3A_278 = arith.constant 400 : i32
      %mul3A_279 = arith.muli %add3A_265, %mul3A_278 : i32
      %add3A_280 = arith.addi %mul3A_2, %mul3A_279 : i32
      %dma_start3A_281 = arith.constant 1 : i32
      %dma_start3A_282 = arith.constant 0 : i32
      %dma_start3A_283 = arith.constant 0 : i32
      %dma_start3A_284 = arith.constant 0 : i32
      %dma_start3A_285 = tpu.memref_slice %arg6[%dma_start3A_281, %dma_start3A_283, %dma_start3A_284] : memref<4x400x64xf32, #tpu.memory_space<vmem>> -> memref<1x400x64xf32, #tpu.memory_space<vmem>>
      %dma_start3A_286 = tpu.memref_squeeze %dma_start3A_285 : memref<1x400x64xf32, #tpu.memory_space<vmem>> -> memref<400x64xf32, #tpu.memory_space<vmem>>
      %dma_start3A_287 = arith.constant 0 : i32
      %dma_start3A_288 = tpu.memref_slice %arg4[%add3A_280, %dma_start3A_282, %dma_start3A_287] : memref<819200x2x64xf32, #tpu.memory_space<hbm>> -> memref<400x1x64xf32, #tpu.memory_space<hbm>>
      %dma_start3A_289 = tpu.memref_squeeze %dma_start3A_288 : memref<400x1x64xf32, #tpu.memory_space<hbm>> -> memref<400x64xf32, #tpu.memory_space<hbm>>
      %dma_start3A_290 = arith.constant 0 : i32
      %dma_start3A_291 = tpu.memref_slice %arg4[%add3A_280, %dma_start3A_282, %dma_start3A_290] : memref<819200x2x64xf32, #tpu.memory_space<hbm>> -> memref<400x1x64xf32, #tpu.memory_space<hbm>>
      %dma_start3A_292 = tpu.memref_squeeze %dma_start3A_291 : memref<400x1x64xf32, #tpu.memory_space<hbm>> -> memref<400x64xf32, #tpu.memory_space<hbm>>
      %dma_start3A_293 = arith.constant 0 : i32
      %dma_start3A_294 = arith.constant 0 : i32
      %dma_start3A_295 = tpu.memref_slice %arg6[%dma_start3A_281, %dma_start3A_293, %dma_start3A_294] : memref<4x400x64xf32, #tpu.memory_space<vmem>> -> memref<1x400x64xf32, #tpu.memory_space<vmem>>
      %dma_start3A_296 = tpu.memref_squeeze %dma_start3A_295 : memref<1x400x64xf32, #tpu.memory_space<vmem>> -> memref<400x64xf32, #tpu.memory_space<vmem>>
      tpu.enqueue_dma source(%dma_start3A_296 : memref<400x64xf32, #tpu.memory_space<vmem>>) target(%dma_start3A_292 : memref<400x64xf32, #tpu.memory_space<hbm>>) target_semaphore(%arg16 : memref<!tpu.dma_semaphore, #tpu.memory_space<semaphore_mem>>)
      %add3A_297 = arith.constant 4 : i32
      %add3A_298 = arith.addi %add3A_265, %add3A_297 : i32
      %lt3A_299 = arith.constant 64 : i32
      %lt3A_300 = arith.cmpi slt, %add3A_298, %lt3A_299 : i32
      %convert_element_type3A_301 = arith.extui %lt3A_300 : i1 to i32
      %cond3A_302 = arith.constant 0 : i32
      %cond3A_303 = arith.cmpi ne, %convert_element_type3A_301, %cond3A_302 : i32
      scf.if %cond3A_303 {
        %add3A_411 = arith.constant 4 : i32
        %add3A_412 = arith.addi %add3A_265, %add3A_411 : i32
        %mul3A_413 = arith.constant 400 : i32
        %mul3A_414 = arith.muli %add3A_412, %mul3A_413 : i32
        %add3A_415 = arith.addi %mul3A_2, %mul3A_414 : i32
        %dma_start3A_416 = arith.constant 1 : i32
        %dma_start3A_417 = arith.constant 0 : i32
        %dma_start3A_418 = tpu.memref_slice %arg5[%dma_start3A_416, %dma_start3A_417] : memref<4x400xi32, #tpu.memory_space<vmem>> -> memref<1x400xi32, #tpu.memory_space<vmem>>
        %dma_start3A_419 = tpu.memref_squeeze %dma_start3A_418 : memref<1x400xi32, #tpu.memory_space<vmem>> -> memref<400xi32, #tpu.memory_space<vmem>>
        %dma_start3A_420 = tpu.memref_slice %arg2[%add3A_415] : memref<819200xi32, #tpu.memory_space<hbm>> -> memref<400xi32, #tpu.memory_space<hbm>>
        %dma_start3A_421 = arith.constant 0 : i32
        %dma_start3A_422 = tpu.memref_slice %arg5[%dma_start3A_416, %dma_start3A_421] : memref<4x400xi32, #tpu.memory_space<vmem>> -> memref<1x400xi32, #tpu.memory_space<vmem>>
        %dma_start3A_423 = tpu.memref_squeeze %dma_start3A_422 : memref<1x400xi32, #tpu.memory_space<vmem>> -> memref<400xi32, #tpu.memory_space<vmem>>
        %dma_start3A_424 = tpu.memref_slice %arg2[%add3A_415] : memref<819200xi32, #tpu.memory_space<hbm>> -> memref<400xi32, #tpu.memory_space<hbm>>
        tpu.enqueue_dma source(%dma_start3A_424 : memref<400xi32, #tpu.memory_space<hbm>>) target(%dma_start3A_423 : memref<400xi32, #tpu.memory_space<vmem>>) target_semaphore(%arg8 : memref<!tpu.dma_semaphore, #tpu.memory_space<semaphore_mem>>)
      } else {
      }
      %add3A_304 = arith.constant 4 : i32
      %add3A_305 = arith.addi %add3A_265, %add3A_304 : i32
      %sub3A_306 = arith.constant 1 : i32
      %sub3A_307 = arith.subi %add3A_305, %sub3A_306 : i32
      %lt3A_308 = arith.constant 64 : i32
      %lt3A_309 = arith.cmpi slt, %sub3A_307, %lt3A_308 : i32
      %convert_element_type3A_310 = arith.extui %lt3A_309 : i1 to i32
      %cond3A_311 = arith.constant 0 : i32
      %cond3A_312 = arith.cmpi ne, %convert_element_type3A_310, %cond3A_311 : i32
      scf.if %cond3A_312 {
        %dma_wait3A_411 = arith.constant 0 : i32
        %dma_wait3A_412 = arith.constant 0 : i32
        %dma_wait3A_413 = arith.constant 0 : i32
        %dma_wait3A_414 = arith.constant 0 : i32
        %dma_wait3A_415 = tpu.memref_slice %arg6[%dma_wait3A_411, %dma_wait3A_413, %dma_wait3A_414] : memref<4x400x64xf32, #tpu.memory_space<vmem>> -> memref<1x400x64xf32, #tpu.memory_space<vmem>>
        %dma_wait3A_416 = tpu.memref_squeeze %dma_wait3A_415 : memref<1x400x64xf32, #tpu.memory_space<vmem>> -> memref<400x64xf32, #tpu.memory_space<vmem>>
        %dma_wait3A_417 = arith.constant 0 : i32
        %dma_wait3A_418 = arith.constant 0 : i32
        %dma_wait3A_419 = tpu.memref_slice %arg4[%dma_wait3A_417, %dma_wait3A_412, %dma_wait3A_418] : memref<819200x2x64xf32, #tpu.memory_space<hbm>> -> memref<400x1x64xf32, #tpu.memory_space<hbm>>
        %dma_wait3A_420 = tpu.memref_squeeze %dma_wait3A_419 : memref<400x1x64xf32, #tpu.memory_space<hbm>> -> memref<400x64xf32, #tpu.memory_space<hbm>>
        %dma_wait3A_421 = arith.constant 0 : i32
        %dma_wait3A_422 = arith.constant 0 : i32
        %dma_wait3A_423 = tpu.memref_slice %arg4[%dma_wait3A_421, %dma_wait3A_412, %dma_wait3A_422] : memref<819200x2x64xf32, #tpu.memory_space<hbm>> -> memref<400x1x64xf32, #tpu.memory_space<hbm>>
        %dma_wait3A_424 = tpu.memref_squeeze %dma_wait3A_423 : memref<400x1x64xf32, #tpu.memory_space<hbm>> -> memref<400x64xf32, #tpu.memory_space<hbm>>
        %dma_wait3A_425 = arith.constant 0 : i32
        %dma_wait3A_426 = arith.constant 0 : i32
        %dma_wait3A_427 = tpu.memref_slice %arg6[%dma_wait3A_411, %dma_wait3A_425, %dma_wait3A_426] : memref<4x400x64xf32, #tpu.memory_space<vmem>> -> memref<1x400x64xf32, #tpu.memory_space<vmem>>
        %dma_wait3A_428 = tpu.memref_squeeze %dma_wait3A_427 : memref<1x400x64xf32, #tpu.memory_space<vmem>> -> memref<400x64xf32, #tpu.memory_space<vmem>>
        tpu.wait_dma2 semaphore(%arg15 : memref<!tpu.dma_semaphore, #tpu.memory_space<semaphore_mem>>) src(%dma_wait3A_428 : memref<400x64xf32, #tpu.memory_space<vmem>>) dst(%dma_wait3A_424 : memref<400x64xf32, #tpu.memory_space<hbm>>)
        %dma_wait3A_429 = arith.constant 0 : i32
        %dma_wait3A_430 = arith.constant 0 : i32
        %dma_wait3A_431 = tpu.memref_slice %arg5[%dma_wait3A_429, %dma_wait3A_430] : memref<4x400xi32, #tpu.memory_space<vmem>> -> memref<1x400xi32, #tpu.memory_space<vmem>>
        %dma_wait3A_432 = tpu.memref_squeeze %dma_wait3A_431 : memref<1x400xi32, #tpu.memory_space<vmem>> -> memref<400xi32, #tpu.memory_space<vmem>>
        %dma_wait3A_433 = arith.constant 0 : i32
        %dma_wait3A_434 = tpu.memref_slice %arg2[%dma_wait3A_433] : memref<819200xi32, #tpu.memory_space<hbm>> -> memref<400xi32, #tpu.memory_space<hbm>>
        %dma_wait3A_435 = arith.constant 0 : i32
        %dma_wait3A_436 = tpu.memref_slice %arg5[%dma_wait3A_429, %dma_wait3A_435] : memref<4x400xi32, #tpu.memory_space<vmem>> -> memref<1x400xi32, #tpu.memory_space<vmem>>
        %dma_wait3A_437 = tpu.memref_squeeze %dma_wait3A_436 : memref<1x400xi32, #tpu.memory_space<vmem>> -> memref<400xi32, #tpu.memory_space<vmem>>
        %dma_wait3A_438 = arith.constant 0 : i32
        %dma_wait3A_439 = tpu.memref_slice %arg2[%dma_wait3A_438] : memref<819200xi32, #tpu.memory_space<hbm>> -> memref<400xi32, #tpu.memory_space<hbm>>
        tpu.wait_dma2 semaphore(%arg7 : memref<!tpu.dma_semaphore, #tpu.memory_space<semaphore_mem>>) src(%dma_wait3A_439 : memref<400xi32, #tpu.memory_space<hbm>>) dst(%dma_wait3A_437 : memref<400xi32, #tpu.memory_space<vmem>>)
        %dma_start3A_440 = arith.constant 0 : i32
        %dma_start3A_441 = arith.constant 0 : i32
        %dma_start3A_442 = arith.constant 0 : i32
        %dma_start3A_443 = arith.constant 0 : i32
        %dma_start3A_444 = tpu.memref_slice %arg6[%dma_start3A_441, %dma_start3A_442, %dma_start3A_443] : memref<4x400x64xf32, #tpu.memory_space<vmem>> -> memref<1x400x64xf32, #tpu.memory_space<vmem>>
        %dma_start3A_445 = tpu.memref_squeeze %dma_start3A_444 : memref<1x400x64xf32, #tpu.memory_space<vmem>> -> memref<400x64xf32, #tpu.memory_space<vmem>>
        %dma_start3A_446 = arith.constant 0 : i32
        %dma_start3A_447 = tpu.memref_slice %arg5[%dma_start3A_440, %dma_start3A_446] : memref<4x400xi32, #tpu.memory_space<vmem>> -> memref<1x400xi32, #tpu.memory_space<vmem>>
        %dma_start3A_448 = tpu.memref_squeeze %dma_start3A_447 : memref<1x400xi32, #tpu.memory_space<vmem>> -> memref<400xi32, #tpu.memory_space<vmem>>
        %dma_start3A_449 = arith.constant 0 : i32
        %dma_start3A_450 = arith.constant 0 : i32
        %dma_start3A_451 = tpu.memref_slice %arg3[%dma_start3A_449, %dma_start3A_450] : memref<2000000x64xf32, #tpu.memory_space<hbm>> -> memref<2000000x64xf32, #tpu.memory_space<hbm>>
        tpu.enqueue_indirect_dma source(%dma_start3A_451 : memref<2000000x64xf32, #tpu.memory_space<hbm>>) target(%dma_start3A_445 : memref<400x64xf32, #tpu.memory_space<vmem>>) offsets(%dma_start3A_448 : memref<400xi32, #tpu.memory_space<vmem>>) semaphore(%arg11 : memref<!tpu.dma_semaphore, #tpu.memory_space<semaphore_mem>>)
      } else {
      }
      %add3A_313 = arith.constant 2 : i32
      %add3A_314 = arith.addi %add3A_217, %add3A_313 : i32
      %dma_wait3A_315 = arith.constant 2 : i32
      %dma_wait3A_316 = arith.constant 2 : i32
      %dma_wait3A_317 = arith.constant 0 : i32
      %dma_wait3A_318 = arith.constant 0 : i32
      %dma_wait3A_319 = tpu.memref_slice %arg6[%dma_wait3A_316, %dma_wait3A_317, %dma_wait3A_318] : memref<4x400x64xf32, #tpu.memory_space<vmem>> -> memref<1x400x64xf32, #tpu.memory_space<vmem>>
      %dma_wait3A_320 = tpu.memref_squeeze %dma_wait3A_319 : memref<1x400x64xf32, #tpu.memory_space<vmem>> -> memref<400x64xf32, #tpu.memory_space<vmem>>
      %dma_wait3A_321 = arith.constant 0 : i32
      %dma_wait3A_322 = tpu.memref_slice %arg5[%dma_wait3A_315, %dma_wait3A_321] : memref<4x400xi32, #tpu.memory_space<vmem>> -> memref<1x400xi32, #tpu.memory_space<vmem>>
      %dma_wait3A_323 = tpu.memref_squeeze %dma_wait3A_322 : memref<1x400xi32, #tpu.memory_space<vmem>> -> memref<400xi32, #tpu.memory_space<vmem>>
      %dma_wait3A_324 = arith.constant 0 : i32
      %dma_wait3A_325 = arith.constant 0 : i32
      %dma_wait3A_326 = tpu.memref_slice %arg3[%dma_wait3A_324, %dma_wait3A_325] : memref<2000000x64xf32, #tpu.memory_space<hbm>> -> memref<2000000x64xf32, #tpu.memory_space<hbm>>
      tpu.wait_indirect_dma semaphore(%arg13 : memref<!tpu.dma_semaphore, #tpu.memory_space<semaphore_mem>>) src(%dma_wait3A_326 : memref<2000000x64xf32, #tpu.memory_space<hbm>>) dst(%dma_wait3A_320 : memref<400x64xf32, #tpu.memory_space<vmem>>)
      %mul3A_327 = arith.constant 400 : i32
      %mul3A_328 = arith.muli %add3A_314, %mul3A_327 : i32
      %add3A_329 = arith.addi %mul3A_2, %mul3A_328 : i32
      %dma_start3A_330 = arith.constant 2 : i32
      %dma_start3A_331 = arith.constant 0 : i32
      %dma_start3A_332 = arith.constant 0 : i32
      %dma_start3A_333 = arith.constant 0 : i32
      %dma_start3A_334 = tpu.memref_slice %arg6[%dma_start3A_330, %dma_start3A_332, %dma_start3A_333] : memref<4x400x64xf32, #tpu.memory_space<vmem>> -> memref<1x400x64xf32, #tpu.memory_space<vmem>>
      %dma_start3A_335 = tpu.memref_squeeze %dma_start3A_334 : memref<1x400x64xf32, #tpu.memory_space<vmem>> -> memref<400x64xf32, #tpu.memory_space<vmem>>
      %dma_start3A_336 = arith.constant 0 : i32
      %dma_start3A_337 = tpu.memref_slice %arg4[%add3A_329, %dma_start3A_331, %dma_start3A_336] : memref<819200x2x64xf32, #tpu.memory_space<hbm>> -> memref<400x1x64xf32, #tpu.memory_space<hbm>>
      %dma_start3A_338 = tpu.memref_squeeze %dma_start3A_337 : memref<400x1x64xf32, #tpu.memory_space<hbm>> -> memref<400x64xf32, #tpu.memory_space<hbm>>
      %dma_start3A_339 = arith.constant 0 : i32
      %dma_start3A_340 = tpu.memref_slice %arg4[%add3A_329, %dma_start3A_331, %dma_start3A_339] : memref<819200x2x64xf32, #tpu.memory_space<hbm>> -> memref<400x1x64xf32, #tpu.memory_space<hbm>>
      %dma_start3A_341 = tpu.memref_squeeze %dma_start3A_340 : memref<400x1x64xf32, #tpu.memory_space<hbm>> -> memref<400x64xf32, #tpu.memory_space<hbm>>
      %dma_start3A_342 = arith.constant 0 : i32
      %dma_start3A_343 = arith.constant 0 : i32
      %dma_start3A_344 = tpu.memref_slice %arg6[%dma_start3A_330, %dma_start3A_342, %dma_start3A_343] : memref<4x400x64xf32, #tpu.memory_space<vmem>> -> memref<1x400x64xf32, #tpu.memory_space<vmem>>
      %dma_start3A_345 = tpu.memref_squeeze %dma_start3A_344 : memref<1x400x64xf32, #tpu.memory_space<vmem>> -> memref<400x64xf32, #tpu.memory_space<vmem>>
      tpu.enqueue_dma source(%dma_start3A_345 : memref<400x64xf32, #tpu.memory_space<vmem>>) target(%dma_start3A_341 : memref<400x64xf32, #tpu.memory_space<hbm>>) target_semaphore(%arg17 : memref<!tpu.dma_semaphore, #tpu.memory_space<semaphore_mem>>)
      %add3A_346 = arith.constant 4 : i32
      %add3A_347 = arith.addi %add3A_314, %add3A_346 : i32
      %lt3A_348 = arith.constant 64 : i32
      %lt3A_349 = arith.cmpi slt, %add3A_347, %lt3A_348 : i32
      %convert_element_type3A_350 = arith.extui %lt3A_349 : i1 to i32
      %cond3A_351 = arith.constant 0 : i32
      %cond3A_352 = arith.cmpi ne, %convert_element_type3A_350, %cond3A_351 : i32
      scf.if %cond3A_352 {
        %add3A_411 = arith.constant 4 : i32
        %add3A_412 = arith.addi %add3A_314, %add3A_411 : i32
        %mul3A_413 = arith.constant 400 : i32
        %mul3A_414 = arith.muli %add3A_412, %mul3A_413 : i32
        %add3A_415 = arith.addi %mul3A_2, %mul3A_414 : i32
        %dma_start3A_416 = arith.constant 2 : i32
        %dma_start3A_417 = arith.constant 0 : i32
        %dma_start3A_418 = tpu.memref_slice %arg5[%dma_start3A_416, %dma_start3A_417] : memref<4x400xi32, #tpu.memory_space<vmem>> -> memref<1x400xi32, #tpu.memory_space<vmem>>
        %dma_start3A_419 = tpu.memref_squeeze %dma_start3A_418 : memref<1x400xi32, #tpu.memory_space<vmem>> -> memref<400xi32, #tpu.memory_space<vmem>>
        %dma_start3A_420 = tpu.memref_slice %arg2[%add3A_415] : memref<819200xi32, #tpu.memory_space<hbm>> -> memref<400xi32, #tpu.memory_space<hbm>>
        %dma_start3A_421 = arith.constant 0 : i32
        %dma_start3A_422 = tpu.memref_slice %arg5[%dma_start3A_416, %dma_start3A_421] : memref<4x400xi32, #tpu.memory_space<vmem>> -> memref<1x400xi32, #tpu.memory_space<vmem>>
        %dma_start3A_423 = tpu.memref_squeeze %dma_start3A_422 : memref<1x400xi32, #tpu.memory_space<vmem>> -> memref<400xi32, #tpu.memory_space<vmem>>
        %dma_start3A_424 = tpu.memref_slice %arg2[%add3A_415] : memref<819200xi32, #tpu.memory_space<hbm>> -> memref<400xi32, #tpu.memory_space<hbm>>
        tpu.enqueue_dma source(%dma_start3A_424 : memref<400xi32, #tpu.memory_space<hbm>>) target(%dma_start3A_423 : memref<400xi32, #tpu.memory_space<vmem>>) target_semaphore(%arg9 : memref<!tpu.dma_semaphore, #tpu.memory_space<semaphore_mem>>)
      } else {
      }
      %add3A_353 = arith.constant 4 : i32
      %add3A_354 = arith.addi %add3A_314, %add3A_353 : i32
      %sub3A_355 = arith.constant 1 : i32
      %sub3A_356 = arith.subi %add3A_354, %sub3A_355 : i32
      %lt3A_357 = arith.constant 64 : i32
      %lt3A_358 = arith.cmpi slt, %sub3A_356, %lt3A_357 : i32
      %convert_element_type3A_359 = arith.extui %lt3A_358 : i1 to i32
      %cond3A_360 = arith.constant 0 : i32
      %cond3A_361 = arith.cmpi ne, %convert_element_type3A_359, %cond3A_360 : i32
      scf.if %cond3A_361 {
        %dma_wait3A_411 = arith.constant 1 : i32
        %dma_wait3A_412 = arith.constant 0 : i32
        %dma_wait3A_413 = arith.constant 0 : i32
        %dma_wait3A_414 = arith.constant 0 : i32
        %dma_wait3A_415 = tpu.memref_slice %arg6[%dma_wait3A_411, %dma_wait3A_413, %dma_wait3A_414] : memref<4x400x64xf32, #tpu.memory_space<vmem>> -> memref<1x400x64xf32, #tpu.memory_space<vmem>>
        %dma_wait3A_416 = tpu.memref_squeeze %dma_wait3A_415 : memref<1x400x64xf32, #tpu.memory_space<vmem>> -> memref<400x64xf32, #tpu.memory_space<vmem>>
        %dma_wait3A_417 = arith.constant 0 : i32
        %dma_wait3A_418 = arith.constant 0 : i32
        %dma_wait3A_419 = tpu.memref_slice %arg4[%dma_wait3A_417, %dma_wait3A_412, %dma_wait3A_418] : memref<819200x2x64xf32, #tpu.memory_space<hbm>> -> memref<400x1x64xf32, #tpu.memory_space<hbm>>
        %dma_wait3A_420 = tpu.memref_squeeze %dma_wait3A_419 : memref<400x1x64xf32, #tpu.memory_space<hbm>> -> memref<400x64xf32, #tpu.memory_space<hbm>>
        %dma_wait3A_421 = arith.constant 0 : i32
        %dma_wait3A_422 = arith.constant 0 : i32
        %dma_wait3A_423 = tpu.memref_slice %arg4[%dma_wait3A_421, %dma_wait3A_412, %dma_wait3A_422] : memref<819200x2x64xf32, #tpu.memory_space<hbm>> -> memref<400x1x64xf32, #tpu.memory_space<hbm>>
        %dma_wait3A_424 = tpu.memref_squeeze %dma_wait3A_423 : memref<400x1x64xf32, #tpu.memory_space<hbm>> -> memref<400x64xf32, #tpu.memory_space<hbm>>
        %dma_wait3A_425 = arith.constant 0 : i32
        %dma_wait3A_426 = arith.constant 0 : i32
        %dma_wait3A_427 = tpu.memref_slice %arg6[%dma_wait3A_411, %dma_wait3A_425, %dma_wait3A_426] : memref<4x400x64xf32, #tpu.memory_space<vmem>> -> memref<1x400x64xf32, #tpu.memory_space<vmem>>
        %dma_wait3A_428 = tpu.memref_squeeze %dma_wait3A_427 : memref<1x400x64xf32, #tpu.memory_space<vmem>> -> memref<400x64xf32, #tpu.memory_space<vmem>>
        tpu.wait_dma2 semaphore(%arg16 : memref<!tpu.dma_semaphore, #tpu.memory_space<semaphore_mem>>) src(%dma_wait3A_428 : memref<400x64xf32, #tpu.memory_space<vmem>>) dst(%dma_wait3A_424 : memref<400x64xf32, #tpu.memory_space<hbm>>)
        %dma_wait3A_429 = arith.constant 1 : i32
        %dma_wait3A_430 = arith.constant 0 : i32
        %dma_wait3A_431 = tpu.memref_slice %arg5[%dma_wait3A_429, %dma_wait3A_430] : memref<4x400xi32, #tpu.memory_space<vmem>> -> memref<1x400xi32, #tpu.memory_space<vmem>>
        %dma_wait3A_432 = tpu.memref_squeeze %dma_wait3A_431 : memref<1x400xi32, #tpu.memory_space<vmem>> -> memref<400xi32, #tpu.memory_space<vmem>>
        %dma_wait3A_433 = arith.constant 0 : i32
        %dma_wait3A_434 = tpu.memref_slice %arg2[%dma_wait3A_433] : memref<819200xi32, #tpu.memory_space<hbm>> -> memref<400xi32, #tpu.memory_space<hbm>>
        %dma_wait3A_435 = arith.constant 0 : i32
        %dma_wait3A_436 = tpu.memref_slice %arg5[%dma_wait3A_429, %dma_wait3A_435] : memref<4x400xi32, #tpu.memory_space<vmem>> -> memref<1x400xi32, #tpu.memory_space<vmem>>
        %dma_wait3A_437 = tpu.memref_squeeze %dma_wait3A_436 : memref<1x400xi32, #tpu.memory_space<vmem>> -> memref<400xi32, #tpu.memory_space<vmem>>
        %dma_wait3A_438 = arith.constant 0 : i32
        %dma_wait3A_439 = tpu.memref_slice %arg2[%dma_wait3A_438] : memref<819200xi32, #tpu.memory_space<hbm>> -> memref<400xi32, #tpu.memory_space<hbm>>
        tpu.wait_dma2 semaphore(%arg8 : memref<!tpu.dma_semaphore, #tpu.memory_space<semaphore_mem>>) src(%dma_wait3A_439 : memref<400xi32, #tpu.memory_space<hbm>>) dst(%dma_wait3A_437 : memref<400xi32, #tpu.memory_space<vmem>>)
        %dma_start3A_440 = arith.constant 1 : i32
        %dma_start3A_441 = arith.constant 1 : i32
        %dma_start3A_442 = arith.constant 0 : i32
        %dma_start3A_443 = arith.constant 0 : i32
        %dma_start3A_444 = tpu.memref_slice %arg6[%dma_start3A_441, %dma_start3A_442, %dma_start3A_443] : memref<4x400x64xf32, #tpu.memory_space<vmem>> -> memref<1x400x64xf32, #tpu.memory_space<vmem>>
        %dma_start3A_445 = tpu.memref_squeeze %dma_start3A_444 : memref<1x400x64xf32, #tpu.memory_space<vmem>> -> memref<400x64xf32, #tpu.memory_space<vmem>>
        %dma_start3A_446 = arith.constant 0 : i32
        %dma_start3A_447 = tpu.memref_slice %arg5[%dma_start3A_440, %dma_start3A_446] : memref<4x400xi32, #tpu.memory_space<vmem>> -> memref<1x400xi32, #tpu.memory_space<vmem>>
        %dma_start3A_448 = tpu.memref_squeeze %dma_start3A_447 : memref<1x400xi32, #tpu.memory_space<vmem>> -> memref<400xi32, #tpu.memory_space<vmem>>
        %dma_start3A_449 = arith.constant 0 : i32
        %dma_start3A_450 = arith.constant 0 : i32
        %dma_start3A_451 = tpu.memref_slice %arg3[%dma_start3A_449, %dma_start3A_450] : memref<2000000x64xf32, #tpu.memory_space<hbm>> -> memref<2000000x64xf32, #tpu.memory_space<hbm>>
        tpu.enqueue_indirect_dma source(%dma_start3A_451 : memref<2000000x64xf32, #tpu.memory_space<hbm>>) target(%dma_start3A_445 : memref<400x64xf32, #tpu.memory_space<vmem>>) offsets(%dma_start3A_448 : memref<400xi32, #tpu.memory_space<vmem>>) semaphore(%arg12 : memref<!tpu.dma_semaphore, #tpu.memory_space<semaphore_mem>>)
      } else {
      }
      %add3A_362 = arith.constant 3 : i32
      %add3A_363 = arith.addi %add3A_217, %add3A_362 : i32
      %dma_wait3A_364 = arith.constant 3 : i32
      %dma_wait3A_365 = arith.constant 3 : i32
      %dma_wait3A_366 = arith.constant 0 : i32
      %dma_wait3A_367 = arith.constant 0 : i32
      %dma_wait3A_368 = tpu.memref_slice %arg6[%dma_wait3A_365, %dma_wait3A_366, %dma_wait3A_367] : memref<4x400x64xf32, #tpu.memory_space<vmem>> -> memref<1x400x64xf32, #tpu.memory_space<vmem>>
      %dma_wait3A_369 = tpu.memref_squeeze %dma_wait3A_368 : memref<1x400x64xf32, #tpu.memory_space<vmem>> -> memref<400x64xf32, #tpu.memory_space<vmem>>
      %dma_wait3A_370 = arith.constant 0 : i32
      %dma_wait3A_371 = tpu.memref_slice %arg5[%dma_wait3A_364, %dma_wait3A_370] : memref<4x400xi32, #tpu.memory_space<vmem>> -> memref<1x400xi32, #tpu.memory_space<vmem>>
      %dma_wait3A_372 = tpu.memref_squeeze %dma_wait3A_371 : memref<1x400xi32, #tpu.memory_space<vmem>> -> memref<400xi32, #tpu.memory_space<vmem>>
      %dma_wait3A_373 = arith.constant 0 : i32
      %dma_wait3A_374 = arith.constant 0 : i32
      %dma_wait3A_375 = tpu.memref_slice %arg3[%dma_wait3A_373, %dma_wait3A_374] : memref<2000000x64xf32, #tpu.memory_space<hbm>> -> memref<2000000x64xf32, #tpu.memory_space<hbm>>
      tpu.wait_indirect_dma semaphore(%arg14 : memref<!tpu.dma_semaphore, #tpu.memory_space<semaphore_mem>>) src(%dma_wait3A_375 : memref<2000000x64xf32, #tpu.memory_space<hbm>>) dst(%dma_wait3A_369 : memref<400x64xf32, #tpu.memory_space<vmem>>)
      %mul3A_376 = arith.constant 400 : i32
      %mul3A_377 = arith.muli %add3A_363, %mul3A_376 : i32
      %add3A_378 = arith.addi %mul3A_2, %mul3A_377 : i32
      %dma_start3A_379 = arith.constant 3 : i32
      %dma_start3A_380 = arith.constant 0 : i32
      %dma_start3A_381 = arith.constant 0 : i32
      %dma_start3A_382 = arith.constant 0 : i32
      %dma_start3A_383 = tpu.memref_slice %arg6[%dma_start3A_379, %dma_start3A_381, %dma_start3A_382] : memref<4x400x64xf32, #tpu.memory_space<vmem>> -> memref<1x400x64xf32, #tpu.memory_space<vmem>>
      %dma_start3A_384 = tpu.memref_squeeze %dma_start3A_383 : memref<1x400x64xf32, #tpu.memory_space<vmem>> -> memref<400x64xf32, #tpu.memory_space<vmem>>
      %dma_start3A_385 = arith.constant 0 : i32
      %dma_start3A_386 = tpu.memref_slice %arg4[%add3A_378, %dma_start3A_380, %dma_start3A_385] : memref<819200x2x64xf32, #tpu.memory_space<hbm>> -> memref<400x1x64xf32, #tpu.memory_space<hbm>>
      %dma_start3A_387 = tpu.memref_squeeze %dma_start3A_386 : memref<400x1x64xf32, #tpu.memory_space<hbm>> -> memref<400x64xf32, #tpu.memory_space<hbm>>
      %dma_start3A_388 = arith.constant 0 : i32
      %dma_start3A_389 = tpu.memref_slice %arg4[%add3A_378, %dma_start3A_380, %dma_start3A_388] : memref<819200x2x64xf32, #tpu.memory_space<hbm>> -> memref<400x1x64xf32, #tpu.memory_space<hbm>>
      %dma_start3A_390 = tpu.memref_squeeze %dma_start3A_389 : memref<400x1x64xf32, #tpu.memory_space<hbm>> -> memref<400x64xf32, #tpu.memory_space<hbm>>
      %dma_start3A_391 = arith.constant 0 : i32
      %dma_start3A_392 = arith.constant 0 : i32
      %dma_start3A_393 = tpu.memref_slice %arg6[%dma_start3A_379, %dma_start3A_391, %dma_start3A_392] : memref<4x400x64xf32, #tpu.memory_space<vmem>> -> memref<1x400x64xf32, #tpu.memory_space<vmem>>
      %dma_start3A_394 = tpu.memref_squeeze %dma_start3A_393 : memref<1x400x64xf32, #tpu.memory_space<vmem>> -> memref<400x64xf32, #tpu.memory_space<vmem>>
      tpu.enqueue_dma source(%dma_start3A_394 : memref<400x64xf32, #tpu.memory_space<vmem>>) target(%dma_start3A_390 : memref<400x64xf32, #tpu.memory_space<hbm>>) target_semaphore(%arg18 : memref<!tpu.dma_semaphore, #tpu.memory_space<semaphore_mem>>)
      %add3A_395 = arith.constant 4 : i32
      %add3A_396 = arith.addi %add3A_363, %add3A_395 : i32
      %lt3A_397 = arith.constant 64 : i32
      %lt3A_398 = arith.cmpi slt, %add3A_396, %lt3A_397 : i32
      %convert_element_type3A_399 = arith.extui %lt3A_398 : i1 to i32
      %cond3A_400 = arith.constant 0 : i32
      %cond3A_401 = arith.cmpi ne, %convert_element_type3A_399, %cond3A_400 : i32
      scf.if %cond3A_401 {
        %add3A_411 = arith.constant 4 : i32
        %add3A_412 = arith.addi %add3A_363, %add3A_411 : i32
        %mul3A_413 = arith.constant 400 : i32
        %mul3A_414 = arith.muli %add3A_412, %mul3A_413 : i32
        %add3A_415 = arith.addi %mul3A_2, %mul3A_414 : i32
        %dma_start3A_416 = arith.constant 3 : i32
        %dma_start3A_417 = arith.constant 0 : i32
        %dma_start3A_418 = tpu.memref_slice %arg5[%dma_start3A_416, %dma_start3A_417] : memref<4x400xi32, #tpu.memory_space<vmem>> -> memref<1x400xi32, #tpu.memory_space<vmem>>
        %dma_start3A_419 = tpu.memref_squeeze %dma_start3A_418 : memref<1x400xi32, #tpu.memory_space<vmem>> -> memref<400xi32, #tpu.memory_space<vmem>>
        %dma_start3A_420 = tpu.memref_slice %arg2[%add3A_415] : memref<819200xi32, #tpu.memory_space<hbm>> -> memref<400xi32, #tpu.memory_space<hbm>>
        %dma_start3A_421 = arith.constant 0 : i32
        %dma_start3A_422 = tpu.memref_slice %arg5[%dma_start3A_416, %dma_start3A_421] : memref<4x400xi32, #tpu.memory_space<vmem>> -> memref<1x400xi32, #tpu.memory_space<vmem>>
        %dma_start3A_423 = tpu.memref_squeeze %dma_start3A_422 : memref<1x400xi32, #tpu.memory_space<vmem>> -> memref<400xi32, #tpu.memory_space<vmem>>
        %dma_start3A_424 = tpu.memref_slice %arg2[%add3A_415] : memref<819200xi32, #tpu.memory_space<hbm>> -> memref<400xi32, #tpu.memory_space<hbm>>
        tpu.enqueue_dma source(%dma_start3A_424 : memref<400xi32, #tpu.memory_space<hbm>>) target(%dma_start3A_423 : memref<400xi32, #tpu.memory_space<vmem>>) target_semaphore(%arg10 : memref<!tpu.dma_semaphore, #tpu.memory_space<semaphore_mem>>)
      } else {
      }
      %add3A_402 = arith.constant 4 : i32
      %add3A_403 = arith.addi %add3A_363, %add3A_402 : i32
      %sub3A_404 = arith.constant 1 : i32
      %sub3A_405 = arith.subi %add3A_403, %sub3A_404 : i32
      %lt3A_406 = arith.constant 64 : i32
      %lt3A_407 = arith.cmpi slt, %sub3A_405, %lt3A_406 : i32
      %convert_element_type3A_408 = arith.extui %lt3A_407 : i1 to i32
      %cond3A_409 = arith.constant 0 : i32
      %cond3A_410 = arith.cmpi ne, %convert_element_type3A_408, %cond3A_409 : i32
      scf.if %cond3A_410 {
        %dma_wait3A_411 = arith.constant 2 : i32
        %dma_wait3A_412 = arith.constant 0 : i32
        %dma_wait3A_413 = arith.constant 0 : i32
        %dma_wait3A_414 = arith.constant 0 : i32
        %dma_wait3A_415 = tpu.memref_slice %arg6[%dma_wait3A_411, %dma_wait3A_413, %dma_wait3A_414] : memref<4x400x64xf32, #tpu.memory_space<vmem>> -> memref<1x400x64xf32, #tpu.memory_space<vmem>>
        %dma_wait3A_416 = tpu.memref_squeeze %dma_wait3A_415 : memref<1x400x64xf32, #tpu.memory_space<vmem>> -> memref<400x64xf32, #tpu.memory_space<vmem>>
        %dma_wait3A_417 = arith.constant 0 : i32
        %dma_wait3A_418 = arith.constant 0 : i32
        %dma_wait3A_419 = tpu.memref_slice %arg4[%dma_wait3A_417, %dma_wait3A_412, %dma_wait3A_418] : memref<819200x2x64xf32, #tpu.memory_space<hbm>> -> memref<400x1x64xf32, #tpu.memory_space<hbm>>
        %dma_wait3A_420 = tpu.memref_squeeze %dma_wait3A_419 : memref<400x1x64xf32, #tpu.memory_space<hbm>> -> memref<400x64xf32, #tpu.memory_space<hbm>>
        %dma_wait3A_421 = arith.constant 0 : i32
        %dma_wait3A_422 = arith.constant 0 : i32
        %dma_wait3A_423 = tpu.memref_slice %arg4[%dma_wait3A_421, %dma_wait3A_412, %dma_wait3A_422] : memref<819200x2x64xf32, #tpu.memory_space<hbm>> -> memref<400x1x64xf32, #tpu.memory_space<hbm>>
        %dma_wait3A_424 = tpu.memref_squeeze %dma_wait3A_423 : memref<400x1x64xf32, #tpu.memory_space<hbm>> -> memref<400x64xf32, #tpu.memory_space<hbm>>
        %dma_wait3A_425 = arith.constant 0 : i32
        %dma_wait3A_426 = arith.constant 0 : i32
        %dma_wait3A_427 = tpu.memref_slice %arg6[%dma_wait3A_411, %dma_wait3A_425, %dma_wait3A_426] : memref<4x400x64xf32, #tpu.memory_space<vmem>> -> memref<1x400x64xf32, #tpu.memory_space<vmem>>
        %dma_wait3A_428 = tpu.memref_squeeze %dma_wait3A_427 : memref<1x400x64xf32, #tpu.memory_space<vmem>> -> memref<400x64xf32, #tpu.memory_space<vmem>>
        tpu.wait_dma2 semaphore(%arg17 : memref<!tpu.dma_semaphore, #tpu.memory_space<semaphore_mem>>) src(%dma_wait3A_428 : memref<400x64xf32, #tpu.memory_space<vmem>>) dst(%dma_wait3A_424 : memref<400x64xf32, #tpu.memory_space<hbm>>)
        %dma_wait3A_429 = arith.constant 2 : i32
        %dma_wait3A_430 = arith.constant 0 : i32
        %dma_wait3A_431 = tpu.memref_slice %arg5[%dma_wait3A_429, %dma_wait3A_430] : memref<4x400xi32, #tpu.memory_space<vmem>> -> memref<1x400xi32, #tpu.memory_space<vmem>>
        %dma_wait3A_432 = tpu.memref_squeeze %dma_wait3A_431 : memref<1x400xi32, #tpu.memory_space<vmem>> -> memref<400xi32, #tpu.memory_space<vmem>>
        %dma_wait3A_433 = arith.constant 0 : i32
        %dma_wait3A_434 = tpu.memref_slice %arg2[%dma_wait3A_433] : memref<819200xi32, #tpu.memory_space<hbm>> -> memref<400xi32, #tpu.memory_space<hbm>>
        %dma_wait3A_435 = arith.constant 0 : i32
        %dma_wait3A_436 = tpu.memref_slice %arg5[%dma_wait3A_429, %dma_wait3A_435] : memref<4x400xi32, #tpu.memory_space<vmem>> -> memref<1x400xi32, #tpu.memory_space<vmem>>
        %dma_wait3A_437 = tpu.memref_squeeze %dma_wait3A_436 : memref<1x400xi32, #tpu.memory_space<vmem>> -> memref<400xi32, #tpu.memory_space<vmem>>
        %dma_wait3A_438 = arith.constant 0 : i32
        %dma_wait3A_439 = tpu.memref_slice %arg2[%dma_wait3A_438] : memref<819200xi32, #tpu.memory_space<hbm>> -> memref<400xi32, #tpu.memory_space<hbm>>
        tpu.wait_dma2 semaphore(%arg9 : memref<!tpu.dma_semaphore, #tpu.memory_space<semaphore_mem>>) src(%dma_wait3A_439 : memref<400xi32, #tpu.memory_space<hbm>>) dst(%dma_wait3A_437 : memref<400xi32, #tpu.memory_space<vmem>>)
        %dma_start3A_440 = arith.constant 2 : i32
        %dma_start3A_441 = arith.constant 2 : i32
        %dma_start3A_442 = arith.constant 0 : i32
        %dma_start3A_443 = arith.constant 0 : i32
        %dma_start3A_444 = tpu.memref_slice %arg6[%dma_start3A_441, %dma_start3A_442, %dma_start3A_443] : memref<4x400x64xf32, #tpu.memory_space<vmem>> -> memref<1x400x64xf32, #tpu.memory_space<vmem>>
        %dma_start3A_445 = tpu.memref_squeeze %dma_start3A_444 : memref<1x400x64xf32, #tpu.memory_space<vmem>> -> memref<400x64xf32, #tpu.memory_space<vmem>>
        %dma_start3A_446 = arith.constant 0 : i32
        %dma_start3A_447 = tpu.memref_slice %arg5[%dma_start3A_440, %dma_start3A_446] : memref<4x400xi32, #tpu.memory_space<vmem>> -> memref<1x400xi32, #tpu.memory_space<vmem>>
        %dma_start3A_448 = tpu.memref_squeeze %dma_start3A_447 : memref<1x400xi32, #tpu.memory_space<vmem>> -> memref<400xi32, #tpu.memory_space<vmem>>
        %dma_start3A_449 = arith.constant 0 : i32
        %dma_start3A_450 = arith.constant 0 : i32
        %dma_start3A_451 = tpu.memref_slice %arg3[%dma_start3A_449, %dma_start3A_450] : memref<2000000x64xf32, #tpu.memory_space<hbm>> -> memref<2000000x64xf32, #tpu.memory_space<hbm>>
        tpu.enqueue_indirect_dma source(%dma_start3A_451 : memref<2000000x64xf32, #tpu.memory_space<hbm>>) target(%dma_start3A_445 : memref<400x64xf32, #tpu.memory_space<vmem>>) offsets(%dma_start3A_448 : memref<400xi32, #tpu.memory_space<vmem>>) semaphore(%arg13 : memref<!tpu.dma_semaphore, #tpu.memory_space<semaphore_mem>>)
      } else {
      }
    }
    %scan3A_140 = arith.constant 16 : i32
    %dma_wait3A_141 = arith.constant 0 : i32
    %dma_wait3A_142 = arith.constant 0 : i32
    %dma_wait3A_143 = arith.constant 0 : i32
    %dma_wait3A_144 = arith.constant 0 : i32
    %dma_wait3A_145 = tpu.memref_slice %arg6[%dma_wait3A_141, %dma_wait3A_143, %dma_wait3A_144] : memref<4x400x64xf32, #tpu.memory_space<vmem>> -> memref<1x400x64xf32, #tpu.memory_space<vmem>>
    %dma_wait3A_146 = tpu.memref_squeeze %dma_wait3A_145 : memref<1x400x64xf32, #tpu.memory_space<vmem>> -> memref<400x64xf32, #tpu.memory_space<vmem>>
    %dma_wait3A_147 = arith.constant 0 : i32
    %dma_wait3A_148 = arith.constant 0 : i32
    %dma_wait3A_149 = tpu.memref_slice %arg4[%dma_wait3A_147, %dma_wait3A_142, %dma_wait3A_148] : memref<819200x2x64xf32, #tpu.memory_space<hbm>> -> memref<400x1x64xf32, #tpu.memory_space<hbm>>
    %dma_wait3A_150 = tpu.memref_squeeze %dma_wait3A_149 : memref<400x1x64xf32, #tpu.memory_space<hbm>> -> memref<400x64xf32, #tpu.memory_space<hbm>>
    %dma_wait3A_151 = arith.constant 0 : i32
    %dma_wait3A_152 = arith.constant 0 : i32
    %dma_wait3A_153 = tpu.memref_slice %arg4[%dma_wait3A_151, %dma_wait3A_142, %dma_wait3A_152] : memref<819200x2x64xf32, #tpu.memory_space<hbm>> -> memref<400x1x64xf32, #tpu.memory_space<hbm>>
    %dma_wait3A_154 = tpu.memref_squeeze %dma_wait3A_153 : memref<400x1x64xf32, #tpu.memory_space<hbm>> -> memref<400x64xf32, #tpu.memory_space<hbm>>
    %dma_wait3A_155 = arith.constant 0 : i32
    %dma_wait3A_156 = arith.constant 0 : i32
    %dma_wait3A_157 = tpu.memref_slice %arg6[%dma_wait3A_141, %dma_wait3A_155, %dma_wait3A_156] : memref<4x400x64xf32, #tpu.memory_space<vmem>> -> memref<1x400x64xf32, #tpu.memory_space<vmem>>
    %dma_wait3A_158 = tpu.memref_squeeze %dma_wait3A_157 : memref<1x400x64xf32, #tpu.memory_space<vmem>> -> memref<400x64xf32, #tpu.memory_space<vmem>>
    tpu.wait_dma2 semaphore(%arg15 : memref<!tpu.dma_semaphore, #tpu.memory_space<semaphore_mem>>) src(%dma_wait3A_158 : memref<400x64xf32, #tpu.memory_space<vmem>>) dst(%dma_wait3A_154 : memref<400x64xf32, #tpu.memory_space<hbm>>)
    %dma_wait3A_159 = arith.constant 1 : i32
    %dma_wait3A_160 = arith.constant 0 : i32
    %dma_wait3A_161 = arith.constant 0 : i32
    %dma_wait3A_162 = arith.constant 0 : i32
    %dma_wait3A_163 = tpu.memref_slice %arg6[%dma_wait3A_159, %dma_wait3A_161, %dma_wait3A_162] : memref<4x400x64xf32, #tpu.memory_space<vmem>> -> memref<1x400x64xf32, #tpu.memory_space<vmem>>
    %dma_wait3A_164 = tpu.memref_squeeze %dma_wait3A_163 : memref<1x400x64xf32, #tpu.memory_space<vmem>> -> memref<400x64xf32, #tpu.memory_space<vmem>>
    %dma_wait3A_165 = arith.constant 0 : i32
    %dma_wait3A_166 = arith.constant 0 : i32
    %dma_wait3A_167 = tpu.memref_slice %arg4[%dma_wait3A_165, %dma_wait3A_160, %dma_wait3A_166] : memref<819200x2x64xf32, #tpu.memory_space<hbm>> -> memref<400x1x64xf32, #tpu.memory_space<hbm>>
    %dma_wait3A_168 = tpu.memref_squeeze %dma_wait3A_167 : memref<400x1x64xf32, #tpu.memory_space<hbm>> -> memref<400x64xf32, #tpu.memory_space<hbm>>
    %dma_wait3A_169 = arith.constant 0 : i32
    %dma_wait3A_170 = arith.constant 0 : i32
    %dma_wait3A_171 = tpu.memref_slice %arg4[%dma_wait3A_169, %dma_wait3A_160, %dma_wait3A_170] : memref<819200x2x64xf32, #tpu.memory_space<hbm>> -> memref<400x1x64xf32, #tpu.memory_space<hbm>>
    %dma_wait3A_172 = tpu.memref_squeeze %dma_wait3A_171 : memref<400x1x64xf32, #tpu.memory_space<hbm>> -> memref<400x64xf32, #tpu.memory_space<hbm>>
    %dma_wait3A_173 = arith.constant 0 : i32
    %dma_wait3A_174 = arith.constant 0 : i32
    %dma_wait3A_175 = tpu.memref_slice %arg6[%dma_wait3A_159, %dma_wait3A_173, %dma_wait3A_174] : memref<4x400x64xf32, #tpu.memory_space<vmem>> -> memref<1x400x64xf32, #tpu.memory_space<vmem>>
    %dma_wait3A_176 = tpu.memref_squeeze %dma_wait3A_175 : memref<1x400x64xf32, #tpu.memory_space<vmem>> -> memref<400x64xf32, #tpu.memory_space<vmem>>
    tpu.wait_dma2 semaphore(%arg16 : memref<!tpu.dma_semaphore, #tpu.memory_space<semaphore_mem>>) src(%dma_wait3A_176 : memref<400x64xf32, #tpu.memory_space<vmem>>) dst(%dma_wait3A_172 : memref<400x64xf32, #tpu.memory_space<hbm>>)
    %dma_wait3A_177 = arith.constant 2 : i32
    %dma_wait3A_178 = arith.constant 0 : i32
    %dma_wait3A_179 = arith.constant 0 : i32
    %dma_wait3A_180 = arith.constant 0 : i32
    %dma_wait3A_181 = tpu.memref_slice %arg6[%dma_wait3A_177, %dma_wait3A_179, %dma_wait3A_180] : memref<4x400x64xf32, #tpu.memory_space<vmem>> -> memref<1x400x64xf32, #tpu.memory_space<vmem>>
    %dma_wait3A_182 = tpu.memref_squeeze %dma_wait3A_181 : memref<1x400x64xf32, #tpu.memory_space<vmem>> -> memref<400x64xf32, #tpu.memory_space<vmem>>
    %dma_wait3A_183 = arith.constant 0 : i32
    %dma_wait3A_184 = arith.constant 0 : i32
    %dma_wait3A_185 = tpu.memref_slice %arg4[%dma_wait3A_183, %dma_wait3A_178, %dma_wait3A_184] : memref<819200x2x64xf32, #tpu.memory_space<hbm>> -> memref<400x1x64xf32, #tpu.memory_space<hbm>>
    %dma_wait3A_186 = tpu.memref_squeeze %dma_wait3A_185 : memref<400x1x64xf32, #tpu.memory_space<hbm>> -> memref<400x64xf32, #tpu.memory_space<hbm>>
    %dma_wait3A_187 = arith.constant 0 : i32
    %dma_wait3A_188 = arith.constant 0 : i32
    %dma_wait3A_189 = tpu.memref_slice %arg4[%dma_wait3A_187, %dma_wait3A_178, %dma_wait3A_188] : memref<819200x2x64xf32, #tpu.memory_space<hbm>> -> memref<400x1x64xf32, #tpu.memory_space<hbm>>
    %dma_wait3A_190 = tpu.memref_squeeze %dma_wait3A_189 : memref<400x1x64xf32, #tpu.memory_space<hbm>> -> memref<400x64xf32, #tpu.memory_space<hbm>>
    %dma_wait3A_191 = arith.constant 0 : i32
    %dma_wait3A_192 = arith.constant 0 : i32
    %dma_wait3A_193 = tpu.memref_slice %arg6[%dma_wait3A_177, %dma_wait3A_191, %dma_wait3A_192] : memref<4x400x64xf32, #tpu.memory_space<vmem>> -> memref<1x400x64xf32, #tpu.memory_space<vmem>>
    %dma_wait3A_194 = tpu.memref_squeeze %dma_wait3A_193 : memref<1x400x64xf32, #tpu.memory_space<vmem>> -> memref<400x64xf32, #tpu.memory_space<vmem>>
    tpu.wait_dma2 semaphore(%arg17 : memref<!tpu.dma_semaphore, #tpu.memory_space<semaphore_mem>>) src(%dma_wait3A_194 : memref<400x64xf32, #tpu.memory_space<vmem>>) dst(%dma_wait3A_190 : memref<400x64xf32, #tpu.memory_space<hbm>>)
    %dma_wait3A_195 = arith.constant 3 : i32
    %dma_wait3A_196 = arith.constant 0 : i32
    %dma_wait3A_197 = arith.constant 0 : i32
    %dma_wait3A_198 = arith.constant 0 : i32
    %dma_wait3A_199 = tpu.memref_slice %arg6[%dma_wait3A_195, %dma_wait3A_197, %dma_wait3A_198] : memref<4x400x64xf32, #tpu.memory_space<vmem>> -> memref<1x400x64xf32, #tpu.memory_space<vmem>>
    %dma_wait3A_200 = tpu.memref_squeeze %dma_wait3A_199 : memref<1x400x64xf32, #tpu.memory_space<vmem>> -> memref<400x64xf32, #tpu.memory_space<vmem>>
    %dma_wait3A_201 = arith.constant 0 : i32
    %dma_wait3A_202 = arith.constant 0 : i32
    %dma_wait3A_203 = tpu.memref_slice %arg4[%dma_wait3A_201, %dma_wait3A_196, %dma_wait3A_202] : memref<819200x2x64xf32, #tpu.memory_space<hbm>> -> memref<400x1x64xf32, #tpu.memory_space<hbm>>
    %dma_wait3A_204 = tpu.memref_squeeze %dma_wait3A_203 : memref<400x1x64xf32, #tpu.memory_space<hbm>> -> memref<400x64xf32, #tpu.memory_space<hbm>>
    %dma_wait3A_205 = arith.constant 0 : i32
    %dma_wait3A_206 = arith.constant 0 : i32
    %dma_wait3A_207 = tpu.memref_slice %arg4[%dma_wait3A_205, %dma_wait3A_196, %dma_wait3A_206] : memref<819200x2x64xf32, #tpu.memory_space<hbm>> -> memref<400x1x64xf32, #tpu.memory_space<hbm>>
    %dma_wait3A_208 = tpu.memref_squeeze %dma_wait3A_207 : memref<400x1x64xf32, #tpu.memory_space<hbm>> -> memref<400x64xf32, #tpu.memory_space<hbm>>
    %dma_wait3A_209 = arith.constant 0 : i32
    %dma_wait3A_210 = arith.constant 0 : i32
    %dma_wait3A_211 = tpu.memref_slice %arg6[%dma_wait3A_195, %dma_wait3A_209, %dma_wait3A_210] : memref<4x400x64xf32, #tpu.memory_space<vmem>> -> memref<1x400x64xf32, #tpu.memory_space<vmem>>
    %dma_wait3A_212 = tpu.memref_squeeze %dma_wait3A_211 : memref<1x400x64xf32, #tpu.memory_space<vmem>> -> memref<400x64xf32, #tpu.memory_space<vmem>>
    tpu.wait_dma2 semaphore(%arg18 : memref<!tpu.dma_semaphore, #tpu.memory_space<semaphore_mem>>) src(%dma_wait3A_212 : memref<400x64xf32, #tpu.memory_space<vmem>>) dst(%dma_wait3A_208 : memref<400x64xf32, #tpu.memory_space<hbm>>)
    return
  }
}

</mosaic_0001>

<sc_bundles>
// kernel: kernel.3.cloned.1.call-start
scs
__scs_entry_jumppad:
0x0: {  	(pc) =	sbr.rel $0x88, $3  }
0x1: {  	(tag) =	ssettag $0x0;
	lr =	simm.s32 $0x1  }
0x2: {  	[smem:$0x3F9F] =	sst lr;
	_ =	strace $0xD0000000  }
0x3: {  	_ = 	snop  }
0x4: {  	_ = 	snop  }
0x5: {  	_ = 	snop  }
0x6: {  	_ = 	snop  }
0x7: {  	_ = 	snop  }
__scs_overlays_trampoline_lowered:
0x8: {  	[smem:$0x3FAE] =	sst s0  }
0x9: {  	[smem:$0x3FAF] =	sst s1  }
0xa: {  	[smem:$0x3FB0] =	sst s2  }
0xb: {  	[smem:$0x3FB1] =	sst s3  }
0xc: {  	[smem:$0x3FB2] =	sst s4  }
0xd: {  	[smem:$0x3FB3] =	sst s5  }
0xe: {  	[smem:$0x3FB4] =	sst s6  }
0xf: {  	[smem:$0x3FB5] =	sst s7  }
0x10: {  	[smem:$0x3FB6] =	sst s8  }
0x11: {  	[smem:$0x3FB7] =	sst s9;
	s0 =	simm.s32 @!p0 $0x0  }
0x12: {  	s1 =	sld [smem:$0x3F9D];
	s0 =	simm.s32 @p0 $0x1  }
0x13: {  	[smem:$0x3FB8] =	sst s0;
	s0 =	simm.s32 @!p1 $0x0  }
0x14: {  	s2 =	sld [smem:$0x3F9C];
	s0 =	simm.s32 @p1 $0x1  }
0x15: {  	[smem:$0x3FB9] =	sst s0;
	s0 =	simm.s32 @!p2 $0x0  }
0x16: {  	s3 =	sld [smem:$0x3FDB];
	s0 =	simm.s32 @p2 $0x1  }
0x17: {  	s4 =	simm.s32 $0x1BF5;
	[smem:$0x3FBB] =	sst s0  }
0x18: {  	s0 =	sld [smem:$0x3F9E];
	_ =	swait.ge [sflag:s4], $0x0  }
0x19: {  	s7 =	sld [smem:$0x3F9F]  }
0x1a: {  	s8 =	sadd.s32 $0xFFFFE003, lr  }
0x1b: {  	s9 =	sadd.s32 $0xFFFFFEF7, lr;
	s5 =	simm.s32 $0xFFFFFFFF;
	p2 =	slt.u32 s8, $0xFFFFF086  }
0x1c: {  	p1 =	slt.u32 s9, $0xF7A;
	s5 =	simm.s32 @!p2 $0x0  }
0x1d: {  	s5 =	simm.s32 @p1 $0x1;
	p0 =	seq.s32 s7, s2  }
0x1e: {  	s7 =	smul.u32 @!p0 $0xF7A, s2;
	p2 =	seq.s32 @!p0 s5, $0x0  }
0x1f: {  	s9 =	smul.u32 $0xF7A, s1;
	s8 =	simm.s32 @!p0 $0x1BF5;
	p2 =	por !p2, p0  }
0x20: {  	[sflag:s8] =	ssyncset.s32 @!p0 $0xFFFFF086;
	s6 =	sadd.s32 @!p0 s3, s7;
	s7 =	simm.s32 @!p0 $0x108  }
0x21: {  	s3 =	sadd.s32 s3, s9;
	s6 =	sadd.s32 @!p0 $0x88, s6;
	s7 =	simm.s32 @p2 $0x1082  }
0x22: {  	[simem:s7], [sflag:s8] =	dma.local @!p0 [hbm:s6], $0xF7A  }
0x23: {  	s9 =	sor.u32 $0xD0000000, s2;
	s6 =	simm.s32 $0x108;
	_ =	swait.ge @!p0 [sflag:s8], $0x0  }
0x24: {  	s3 =	sadd.s32 $0x88, s3;
	s6 =	simm.s32 @!p1 $0x1082;
	[sflag:s4] =	ssyncset.s32 $0xFFFFF086  }
0x25: {  	[simem:s6], [sflag:s4] =	dma.local [hbm:s3], $0xF7A  }
0x26: {  	[smem:$0x3F9F] =	sst s1;
	(tag) =	ssettag s2;
	_ =	strace s9  }
0x27: {  	s1 =	sld [smem:$0x3FAF]  }
0x28: {  	s2 =	sld [smem:$0x3FB0]  }
0x29: {  	s4 =	sld [smem:$0x3FB2]  }
0x2a: {  	p0 =	seq.s32 s5, $0x0;
	s5 =	sld [smem:$0x3FB3]  }
0x2b: {  	s6 =	sld [smem:$0x3FB4]  }
0x2c: {  	s7 =	sld [smem:$0x3FB5]  }
0x2d: {  	s3 =	simm.s32 $0x108;
	s8 =	sld [smem:$0x3FB6]  }
0x2e: {  	s3 =	simm.s32 @!p0 $0x1082;
	s9 =	sld [smem:$0x3FB7]  }
0x2f: {  	lr =	sadd.s32 s0, s3;
	s0 =	sld [smem:$0x3FAE]  }
0x30: {  	s3 =	sld [smem:$0x3FB1]  }
0x31: {  	[smem:$0x3FBA] =	sst s10  }
0x32: {  	s10 =	sld [smem:$0x3FB8];
	_ =	sdelay $0x3  }
0x33: {  	p0 =	seq.s32 s10, $0x1;
	s10 =	sld [smem:$0x3FBA];
	_ =	sdelay $0x3  }
0x34: {  	[smem:$0x3FBA] =	sst s10  }
0x35: {  	s10 =	sld [smem:$0x3FB9];
	_ =	sdelay $0x3  }
0x36: {  	p1 =	seq.s32 s10, $0x1;
	s10 =	sld [smem:$0x3FBA];
	_ =	sdelay $0x3  }
0x37: {  	[smem:$0x3FBA] =	sst s10  }
0x38: {  	s10 =	sld [smem:$0x3FBB]  }
0x39: {  	_ = 	snop;
	(pc) =	sbr.ind lr, $3  }
0x3a: {  	_ = 	snop  }
0x3b: {  	_ = 	snop  }
0x3c: {  	p2 =	seq.s32 s10, $0x1;
	s10 =	sld [smem:$0x3FBA]  }
0x3d: {  	_ =	shalt  }
0x3e: {  	_ =	shalt  }
0x3f: {  	_ =	shalt  }
0x40: {  	_ =	shalt  }
0x41: {  	_ =	shalt  }
0x42: {  	_ =	shalt  }
0x43: {  	_ =	shalt  }
0x44: {  	_ =	shalt  }
0x45: {  	_ =	shalt  }
0x46: {  	_ =	shalt  }
0x47: {  	_ =	shalt  }
0x48: {  	_ =	shalt  }
0x49: {  	_ =	shalt  }
0x4a: {  	_ =	shalt  }
0x4b: {  	_ =	shalt  }
0x4c: {  	_ =	shalt  }
0x4d: {  	_ =	shalt  }
0x4e: {  	_ =	shalt  }
0x4f: {  	_ =	shalt  }
0x50: {  	_ =	shalt  }
0x51: {  	_ =	shalt  }
0x52: {  	_ =	shalt  }
0x53: {  	_ =	shalt  }
0x54: {  	_ =	shalt  }
0x55: {  	_ =	shalt  }
0x56: {  	_ =	shalt  }
0x57: {  	_ =	shalt  }
0x58: {  	_ =	shalt  }
0x59: {  	_ =	shalt  }
0x5a: {  	_ =	shalt  }
0x5b: {  	_ =	shalt  }
0x5c: {  	_ =	shalt  }
0x5d: {  	_ =	shalt  }
0x5e: {  	_ =	shalt  }
0x5f: {  	_ =	shalt  }
0x60: {  	_ =	shalt  }
0x61: {  	_ =	shalt  }
0x62: {  	_ =	shalt  }
0x63: {  	_ =	shalt  }
0x64: {  	_ =	shalt  }
0x65: {  	_ =	shalt  }
0x66: {  	_ =	shalt  }
0x67: {  	_ =	shalt  }
0x68: {  	_ =	shalt  }
0x69: {  	_ =	shalt  }
0x6a: {  	_ =	shalt  }
0x6b: {  	_ =	shalt  }
0x6c: {  	_ =	shalt  }
0x6d: {  	_ =	shalt  }
0x6e: {  	_ =	shalt  }
0x6f: {  	_ =	shalt  }
0x70: {  	_ =	shalt  }
0x71: {  	_ =	shalt  }
0x72: {  	_ =	shalt  }
0x73: {  	_ =	shalt  }
0x74: {  	_ =	shalt  }
0x75: {  	_ =	shalt  }
0x76: {  	_ =	shalt  }
0x77: {  	_ =	shalt  }
0x78: {  	_ =	shalt  }
0x79: {  	_ =	shalt  }
0x7a: {  	_ =	shalt  }
0x7b: {  	_ =	shalt  }
0x7c: {  	_ =	shalt  }
0x7d: {  	_ =	shalt  }
0x7e: {  	_ =	shalt  }
0x7f: {  	_ =	shalt  }
0x80: {  	_ =	shalt  }
0x81: {  	_ =	shalt  }
0x82: {  	_ =	shalt  }
0x83: {  	_ =	shalt  }
0x84: {  	_ =	shalt  }
0x85: {  	_ =	shalt  }
0x86: {  	_ =	shalt  }
0x87: {  	_ =	shalt  }
.Lfunc_end0:
.L_simem_size_0:
called_computation.2_lowered:
.L_overlay_start_0:
0x88: {  	s2 =	sld [smem:$0x3FD9]  }
0x89: {  	s3 =	sld [smem:$0x3FFE];
	_ =	sdelay $0x1  }
0x8a: {  	s1 =	srdreg.scid  }
0x8b: {  	s0 =	sand.u32 $0x1, s1  }
0x8c: {  	s17 =	sshll.u32 s0, $0xA;
	s2 =	sadd.s32 s3, s2  }
0x8d: {  	s2 =	sadd.s32 s2, s17  }
0x8e: {  	[smem:$0x3FC6] =	sst s2  }
0x8f: {  	_ = 	snop  }
0x90: {  	s2 =	sld [smem:$0x3FD0];
	(tm) =	ssettm $0x1  }
0x91: {  	s18 =	sld [smem:$0x3FFB];
	_ =	sdelay $0x3  }
0x92: {  	_ =	strace s18  }
0x93: {  	s3 =	sld [smem:$0x3FFC];
	_ =	sdelay $0x3  }
0x94: {  	_ =	strace s3  }
0x95: {  	s3 =	sld [smem:$0x3FFD];
	_ =	sdelay $0x3  }
0x96: {  	_ =	strace s3  }
0x97: {  	_ =	strace $0x8FFFFFFF  }
0x98: {  	s19 =	sld [smem:$0x3FDB];
	_ =	sdelay $0x1  }
0x99: {  	s4 =	simm.s32 $_scs_section_size  }
0x9a: {  	s5 =	simm.s32 $_size__tile_overlayer_lowered;
	s6 =	simm.s32 $_tile_overlayer_lowered  }
0x9b: {  	s22 =	simm.s32 $0x1BFF;
	s21 =	sshll.u32 s6, $0x1;
	s3 =	sadd.s32 s4, s19  }
0x9c: {  	s7 =	simm.s32 $0x0;
	s20 =	sshll.u32 s5, $0x1;
	s5 =	sadd.s32 s21, s3  }
0x9d: {  	[timem:s7], [sflag:s22] =	dma.local [hbm:s5], s20  }
0x9e: {  	_ =	swait.ge [sflag:s22], s20  }
0x9f: {  	s4 =	ssub.s32 $0x0, s20;
	[sflag:s22] =	ssyncset.done $0x0  }
0xa0: {  	[sflag:s22] =	ssyncadd.s32 s4;
	_ =	sdelay $0x1  }
0xa1: {  	s23 =	simm.s32 $0x1B8B  }
0xa2: {  	_ =	swait.ge [sflag:s23], $0x1  }
0xa3: {  	[sflag:s23] =	ssyncset.done $0x0  }
0xa4: {  	s25 =	simm.s32 $0x1B8E;
	s24 =	sld [smem:$0x3FFE];
	[sflag:s23] =	ssyncadd.s32 $0xFFFFFFFF  }
0xa5: {  	s26 =	simm.s32 $execute0_lowered;
	[smem:$0x3FD2] =	sst s25  }
0xa6: {  	s5 =	sshll.u32 s26, $0x1;
	_ =	strace $0x80000049;
	[dreg:$0x1] =	wrdreg $0xFFFFFFFF  }
0xa7: {  	s28 =	simm.s32 $_size_execute0_lowered;
	s3 =	sadd.s32 s3, s5;
	[dreg:$0x0] =	wrdreg $0x0  }
0xa8: {  	s5 =	sshll.u32 s28, $0x1;
	[dreg:$0x2] =	wrdreg s3  }
0xa9: {  	[dreg:$0x3] =	wrdreg s5  }
0xaa: {  	[dreg:$0x4] =	wrdreg $0xC0  }
0xab: {  	_ =	task [dreg:s7], $0x5FFFF  }
0xac: {  	[dreg:$0x1] =	wrdreg $0xFFFFFFFF  }
0xad: {  	[dreg:$0x0] =	wrdreg $0x60  }
0xae: {  	[dreg:$0x2] =	wrdreg s2  }
0xaf: {  	[dreg:$0x3] =	wrdreg s24  }
0xb0: {  	[dreg:$0x4] =	wrdreg $0x9  }
0xb1: {  	_ =	task.clear_ibuf [dreg:s7], $0x5FFFF;
	_ =	strace $0x90000049  }
0xb2: {  	s29 =	simm.s32 $0x9;
	_ =	strace $0x8000004B  }
0xb3: {  	_ =	swait.ge [sflag:s29], $0x1  }
0xb4: {  	[sflag:s29] =	ssyncadd.s32 $0xFFFFFFFF  }
0xb5: {  	_ =	strace $0x9000004B  }
0xb6: {  	_ =	sfence  }
0xb7: {  	s30 =	sld [smem:$0x0];
	_ =	sdelay $0x2  }
0xb8: {  	s31 =	sshll.u32 s1, $0xD;
	s1 =	sshrl.u32 s1, $0x2  }
0xb9: {  	s3 =	sand.u32 $0x4000, s31;
	s1 =	sadd.s32 s1, s30  }
0xba: {  	s0 =	sor.u32 s3, s0;
	s1 =	sshll.u32 s1, $0x11  }
0xbb: {  	s0 =	sor.u32 s1, s0  }
0xbc: {  	s0 =	sadd.s32 $0x8F2B, s0  }
0xbd: {  	[sflag:s0] =	ssyncadd.remote.s32 $0x1  }
0xbe: {  	_ =	sfence.sel $0xFFFF  }
0xbf: {  	[dreg:$0x0] =	wrdreg $0xFFFFFFFF;
	(pc) =	sbr.abs _section_cstart, $3  }
0xc0: {  	[dreg:$0x1] =	wrdreg $0xFFFFFFFF  }
0xc1: {  	_ =	task.clear_ibuf [dreg:s7], $0x2FFFF;
	_ =	strace $0x9FFFFFFF  }
0xc2: {  	(tm) =	ssettm $0x7FFFFFFF  }
0xc3: {  	_ =	shalt  }
tec
execute0_lowered:
.L_overlay_start_1:
0x0: {  	(tag) =	ssettag $0x1  }
0x1: {  	s3 =	rddreg [dreg:$0x0]  }
0x2: {  	s0 =	srdreg.scid;
	s2 =	stileid.u32  }
0x3: {  	s1 =	rddreg [dreg:$0x1];
	s5 =	simm.s32 $0x0;
	s28 =	simm.s32 $0x4  }
0x4: {  	s29 =	simm.s32 $0x13240;
	s30 =	simm.s32 $0x5;
	s31 =	simm.s32 $0x40  }
0x5: {  	s10 =	simm.s32 $0xB;
	s0 =	sand.u32 $0x1, s0;
	s7 =	smul.u32 $0xC800, s2  }
0x6: {  	s4 =	sshll.u32 s2, $0x1;
	[smem:$0x7FF] =	sst s5;
	s24 =	smul.u32 $0xC8000, s2  }
0x7: {  	s4 =	sor.u32 s0, s4;
	s6 =	ssub.s32 $0x2, s0;
	s16 =	smul.u32 $0x6400, s0  }
0x8: {  	_ =	strace $0x8000004A;
	s15 =	smul.u32 $0x6400, s4;
	s8 =	sshrl.u32 s6, $0x1  }
0x9: {  	s0 =	smul.u32 $0x64000, s0;
	s4 =	sadd.s32 $0xF43200, s1;
	s6 =	ssub.s32 s6, s8  }
0xa: {  	s1 =	sadd.s32 $0xE00, s1;
	s5 =	sshrl.u32 s15, $0x3;
	s6 =	smax.u32 s6, $0x1  }
0xb: {  	s9 =	sadd.s32 s3, s5;
	s5 =	sadd.s32 s16, s7;
	[dreg:$0x7] =	wrdreg s6  }
0xc: {  	s17 =	sadd.s32 $0x32, s9;
	s18 =	sadd.s32 $0x64, s9;
	[dreg:$0x3] =	wrdreg s9  }
0xd: {  	s19 =	sadd.s32 $0x96, s9;
	s20 =	sadd.s32 $0xAF0, s5;
	s7 =	sshll.u32 s5, $0x4  }
0xe: {  	s21 =	sadd.s32 $0x960, s5;
	s23 =	sadd.s32 $0x7D0, s5;
	[dreg:$0x4] =	wrdreg s17  }
0xf: {  	s26 =	sadd.s32 $0x640, s5;
	s5 =	simm.s32 $0xC;
	[dreg:$0x5] =	wrdreg s18  }
0x10: {  	[dreg:$0x6] =	wrdreg s19;
	s6 =	sshrl.u32 s20, $0x3;
	s7 =	sadd.s32 s7, s1  }
0x11: {  	s22 =	sshrl.u32 s21, $0x3;
	s1 =	sadd.s32 s24, s1;
	[dreg:$0xb] =	wrdreg s26  }
0x12: {  	s18 =	simm.s32 $0x190;
	s19 =	simm.s32 $0x320;
	s20 =	simm.s32 $0x4B0  }
0x13: {  	s24 =	simm.s32 $0x6A40;
	s26 =	simm.s32 $0xCE40;
	s6 =	sadd.s32 s6, s3  }
0x14: {  	s11 =	sadd.s32 $0x4B00, s7;
	s13 =	sadd.s32 $0x3200, s7;
	s15 =	sadd.s32 $0x1900, s7  }
.Ltmp0:
0x15: {  	s17 =	sadd.s32 s0, s1;
	s1 =	simm.s32 $0x80;
	(pc) =	sbr.rel .LBB2_1-.Ltmp0, $4  }
0x16: {  	s0 =	simm.s32 $0x6;
	[dreg:$0x8] =	wrdreg s6;
	s6 =	sadd.s32 s22, s3  }
0x17: {  	s7 =	simm.s32 $0x8;
	[dreg:$0x9] =	wrdreg s6;
	s6 =	sshrl.u32 s23, $0x3  }
0x18: {  	s22 =	simm.s32 $0x640;
	s25 =	sadd.s32 s6, s3;
	s6 =	simm.s32 $0x7  }
0x19: {  	s3 =	simm.s32 $0x0;
	[dreg:$0xa] =	wrdreg s25;
	s25 =	simm.s32 $0x3  }
.LBB2_4:
0x1a: {  	s2 =	simm.s32 $0x9  }
0x1b: {  	_ =	swait.ge [sflag:s2], $0x6400  }
0x1c: {  	[sflag:s2] =	ssyncset.done $0x0  }
0x1d: {  	s21 =	simm.s32 $0xA;
	[sflag:s2] =	ssyncadd.s32 $0xFFFF9C00  }
0x1e: {  	_ =	swait.ge [sflag:s21], $0x6400  }
0x1f: {  	[sflag:s21] =	ssyncset.done $0x0  }
0x20: {  	[sflag:s21] =	ssyncadd.s32 $0xFFFF9C00  }
0x21: {  	_ =	swait.ge [sflag:s10], $0x6400  }
0x22: {  	[sflag:s10] =	ssyncset.done $0x0  }
0x23: {  	[sflag:s10] =	ssyncadd.s32 $0xFFFF9C00  }
0x24: {  	_ =	swait.ge [sflag:s5], $0x6400  }
0x25: {  	s3 =	rddreg [dreg:$0xc]  }
0x26: {  	s23 =	rddreg [dreg:$0x7];
	s3 =	sadd.s32 $0x1, s3  }
0x27: {  	p0 =	sne.s32 s3, s23  }
.Ltmp1:
0x28: {  	_ = 	snop;
	(pc) =	sbr.rel @!p0 .LBB2_5-.Ltmp1, $3  }
0x29: {  	_ =	sdelay $0x1  }
0x2a: {  	[sflag:s5] =	ssyncset.done $0x0  }
0x2b: {  	[sflag:s5] =	ssyncadd.s32 $0xFFFF9C00  }
.LBB2_1:
0x2c: {  	[dreg:$0xc] =	wrdreg s3  }
0x2d: {  	s2 =	simm.s32 $0x0;
	s9 =	rddreg [dreg:$0x3]  }
0x2e: {  	[tilespmem:s2], [sflag:$0x1] =	stream.linear.gather [hbm4b:s9+s2], $0x190, $0x38;
	[tilespmem:$0x19640] =	vst v63  }
0x2f: {  	s12 =	rddreg [dreg:$0x4]  }
0x30: {  	[tilespmem:s18], [sflag:$0x2] =	stream.linear.gather [hbm4b:s12+s2], $0x190, $0x38;
	[tilespmem:$0x19640] =	vst v63  }
0x31: {  	s14 =	rddreg [dreg:$0x5]  }
0x32: {  	[tilespmem:s19], [sflag:$0x3] =	stream.linear.gather [hbm4b:s14+s2], $0x190, $0x38;
	[tilespmem:$0x19640] =	vst v63  }
0x33: {  	s16 =	rddreg [dreg:$0x6];
	s21 =	simm.s32 $0x1  }
0x34: {  	[tilespmem:s20], [sflag:$0x4] =	stream.linear.gather [hbm4b:s16+s2], $0x190, $0x38;
	[tilespmem:$0x19640] =	vst v63  }
0x35: {  	_ =	swait.ge [sflag:s21], $0x190  }
0x36: {  	[sflag:s21] =	ssyncset.done $0x0  }
0x37: {  	s23 =	simm.s32 $0x2;
	[sflag:s21] =	ssyncadd.s32 $0xFFFFFE70  }
0x38: {  	[tilespmem:s22], [sflag:$0x5] =	stream.indirect.gather [hbm4b:s4+s18], $0x40, s2, s18, $0xb8;
	[tilespmem:$0x19640] =	vst v63  }
0x39: {  	_ =	swait.ge [sflag:s23], $0x190  }
0x3a: {  	[sflag:s23] =	ssyncset.done $0x0  }
0x3b: {  	[sflag:s23] =	ssyncadd.s32 $0xFFFFFE70  }
0x3c: {  	[tilespmem:s24], [sflag:$0x6] =	stream.indirect.gather [hbm4b:s4+s18], $0x40, s18, s18, $0xb8;
	[tilespmem:$0x19640] =	vst v63  }
0x3d: {  	_ =	swait.ge [sflag:s25], $0x190  }
0x3e: {  	[sflag:s25] =	ssyncset.done $0x0  }
0x3f: {  	[sflag:s25] =	ssyncadd.s32 $0xFFFFFE70  }
0x40: {  	[tilespmem:s26], [sflag:$0x7] =	stream.indirect.gather [hbm4b:s4+s18], $0x40, s19, s18, $0xb8;
	[tilespmem:$0x19640] =	vst v63  }
0x41: {  	_ =	swait.ge [sflag:s28], $0x190  }
0x42: {  	s16 =	rddreg [dreg:$0xb]  }
0x43: {  	s14 =	rddreg [dreg:$0xa]  }
0x44: {  	s3 =	simm.s32 $0x0;
	[sflag:s28] =	ssyncset.done $0x0;
	s21 =	rddreg [dreg:$0x9]  }
0x45: {  	s8 =	simm.s32 $0x0;
	s23 =	rddreg [dreg:$0x8];
	[sflag:s28] =	ssyncadd.s32 $0xFFFFFE70  }
0x46: {  	[tilespmem:s29], [sflag:$0x8] =	stream.indirect.gather [hbm4b:s4+s18], $0x40, s20, s18, $0xb8;
	[tilespmem:$0x19640] =	vst v63  }
.LBB2_2:
0x47: {  	_ =	swait.ge [sflag:s30], $0x6400  }
0x48: {  	[sflag:s30] =	ssyncset.done $0x0  }
0x49: {  	s9 =	sadd.s32 s8, s17;
	p0 =	seq.s32 s8, $0x5DC00;
	[sflag:s30] =	ssyncadd.s32 $0xFFFF9C00  }
0x4a: {  	[hbm4b:s9+s31] =	stream.strided.scatter [tilespmem:s22], [sflag:$0x9], $0x6400, s1, s31, $0x38;
	[tilespmem:$0x19640] =	vst v63  }
0x4b: {  	p1 =	seq.s32 @!p0 s8, $0x0;
	s9 =	sshrl.u32 @!p0 s16, $0x3;
	s2 =	rddreg [dreg:$0x0]  }
0x4c: {  	p1 =	por p0, !p1;
	s12 =	sadd.s32 @!p0 s2, s9;
	s9 =	simm.s32 @!p0 $0x0  }
0x4d: {  	[tilespmem:s9], [sflag:$0x1] =	stream.linear.gather @!p0 [hbm4b:s12+s9], $0x190, $0x38;
	[tilespmem:$0x19640] =	vst v63  }
0x4e: {  	_ =	swait.ge @p1 [sflag:s5], $0x6400  }
0x4f: {  	[sflag:s5] =	ssyncset.done @p1 $0x0  }
0x50: {  	[sflag:s5] =	ssyncadd.s32 @p1 $0xFFFF9C00  }
0x51: {  	_ =	swait.ge @p1 [sflag:s28], $0x190  }
0x52: {  	[sflag:s28] =	ssyncset.done @p1 $0x0  }
0x53: {  	[sflag:s28] =	ssyncadd.s32 @p1 $0xFFFFFE70  }
0x54: {  	[tilespmem:s29], [sflag:$0x8] =	stream.indirect.gather @p1 [hbm4b:s4+s18], $0x40, s20, s18, $0xb8;
	[tilespmem:$0x19640] =	vst v63  }
0x55: {  	_ =	swait.ge [sflag:s0], $0x6400  }
0x56: {  	[sflag:s0] =	ssyncset.done $0x0  }
0x57: {  	s2 =	sadd.s32 s8, s15;
	[sflag:s0] =	ssyncadd.s32 $0xFFFF9C00  }
0x58: {  	[hbm4b:s2+s31] =	stream.strided.scatter [tilespmem:s24], [sflag:$0xA], $0x6400, s1, s31, $0x38;
	[tilespmem:$0x19640] =	vst v63  }
0x59: {  	s12 =	simm.s32 @!p0 $0x190;
	s2 =	simm.s32 @!p0 $0x9  }
0x5a: {  	[tilespmem:s12], [sflag:$0x2] =	stream.linear.gather @!p0 [hbm4b:s14+s9], $0x190, $0x38;
	[tilespmem:$0x19640] =	vst v63  }
0x5b: {  	_ =	swait.ge @!p0 [sflag:s2], $0x6400  }
0x5c: {  	[sflag:s2] =	ssyncset.done @!p0 $0x0  }
0x5d: {  	[sflag:s2] =	ssyncadd.s32 @!p0 $0xFFFF9C00;
	s2 =	simm.s32 @!p0 $0x1  }
0x5e: {  	_ =	swait.ge @!p0 [sflag:s2], $0x190  }
0x5f: {  	[sflag:s2] =	ssyncset.done @!p0 $0x0  }
0x60: {  	[sflag:s2] =	ssyncadd.s32 @!p0 $0xFFFFFE70;
	s2 =	simm.s32 @!p0 $0x640  }
0x61: {  	[tilespmem:s2], [sflag:$0x5] =	stream.indirect.gather @!p0 [hbm4b:s4+s12], $0x40, s9, s12, $0xb8;
	[tilespmem:$0x19640] =	vst v63  }
0x62: {  	_ =	swait.ge [sflag:s6], $0x6400  }
0x63: {  	[sflag:s6] =	ssyncset.done $0x0  }
0x64: {  	s2 =	sadd.s32 s8, s13;
	[sflag:s6] =	ssyncadd.s32 $0xFFFF9C00  }
0x65: {  	[hbm4b:s2+s31] =	stream.strided.scatter [tilespmem:s26], [sflag:$0xB], $0x6400, s1, s31, $0x38;
	[tilespmem:$0x19640] =	vst v63  }
0x66: {  	s2 =	simm.s32 @!p0 $0x320  }
0x67: {  	[tilespmem:s2], [sflag:$0x3] =	stream.linear.gather @!p0 [hbm4b:s21+s9], $0x190, $0x38;
	[tilespmem:$0x19640] =	vst v63  }
0x68: {  	s2 =	simm.s32 @!p0 $0xA  }
0x69: {  	_ =	swait.ge @!p0 [sflag:s2], $0x6400  }
0x6a: {  	[sflag:s2] =	ssyncset.done @!p0 $0x0  }
0x6b: {  	[sflag:s2] =	ssyncadd.s32 @!p0 $0xFFFF9C00;
	s2 =	simm.s32 @!p0 $0x2  }
0x6c: {  	_ =	swait.ge @!p0 [sflag:s2], $0x190  }
0x6d: {  	[sflag:s2] =	ssyncset.done @!p0 $0x0  }
0x6e: {  	[sflag:s2] =	ssyncadd.s32 @!p0 $0xFFFFFE70;
	s2 =	simm.s32 @!p0 $0x6A40  }
0x6f: {  	[tilespmem:s2], [sflag:$0x6] =	stream.indirect.gather @!p0 [hbm4b:s4+s12], $0x40, s12, s12, $0xb8;
	[tilespmem:$0x19640] =	vst v63  }
.Ltmp2:
0x70: {  	_ = 	snop;
	(pc) =	sbr.rel @p0 .LBB2_4-.Ltmp2, $4  }
0x71: {  	_ =	swait.ge [sflag:s7], $0x6400  }
0x72: {  	[sflag:s7] =	ssyncset.done $0x0  }
0x73: {  	s12 =	sadd.s32 s8, s11;
	[sflag:s7] =	ssyncadd.s32 $0xFFFF9C00  }
0x74: {  	[hbm4b:s12+s31] =	stream.strided.scatter [tilespmem:s29], [sflag:$0xC], $0x6400, s1, s31, $0x38;
	[tilespmem:$0x19640] =	vst v63  }
0x75: {  	[tilespmem:s20], [sflag:$0x4] =	stream.linear.gather [hbm4b:s23+s3], $0x190, $0x38;
	[tilespmem:$0x19640] =	vst v63  }
0x76: {  	_ =	swait.ge [sflag:s10], $0x6400  }
0x77: {  	[sflag:s10] =	ssyncset.done $0x0  }
.Ltmp3:
0x78: {  	[sflag:s10] =	ssyncadd.s32 $0xFFFF9C00;
	(pc) =	sbr.rel .LBB2_2-.Ltmp3, $4  }
0x79: {  	s8 =	sadd.s32 $0x6400, s8;
	_ =	swait.ge [sflag:s25], $0x190  }
0x7a: {  	s23 =	sadd.s32 $0xC8, s23;
	s21 =	sadd.s32 $0xC8, s21;
	[sflag:s25] =	ssyncset.done $0x0  }
0x7b: {  	s14 =	sadd.s32 $0xC8, s14;
	s16 =	sadd.s32 $0x640, s16;
	[sflag:s25] =	ssyncadd.s32 $0xFFFFFE70  }
0x7c: {  	[tilespmem:s26], [sflag:$0x7] =	stream.indirect.gather [hbm4b:s4+s18], $0x40, s19, s18, $0xb8;
	[tilespmem:$0x19640] =	vst v63  }
.LBB2_5:
0x7d: {  	_ =	sfence.sel $0x180000  }
0x7e: {  	[bflag:$0x0] =	sbarrier.arrive $0xFFFF  }
0x7f: {  	_ =	strace $0x9000004A  }
0x80: {  	s0 =	stileid.u32;
	[bflag:$0x2] =	sbarrier.arrive $0xFFFF  }
0x81: {  	p0 =	sne.s32 s0, $0x0;
	s0 =	rddreg [dreg:$0x2]  }
0x82: {  	s0 =	sadd.s32 @!p0 $0x100000, s0  }
0x83: {  	[sflag:s0] =	ssyncadd.tile.s32 @!p0 $0x1;
	_ =	shalt  }
.Lfunc_end2:
_tile_overlayer_lowered:
.L_overlay_start_2:
0x84: {  	(tag) =	ssettag $0x2  }
0x85: {  	s0 =	rddreg [dreg:$0x0];
	s2 =	stileid.u32  }
0x86: {  	s1 =	rddreg [dreg:$0x1];
	p0 =	sne.s32 s2, $0x0  }
0x87: {  	s3 =	rddreg [dreg:$0x2];
	[bflag:$0x3] =	sbarrier.arrive $0xFFFF;
	s2 =	simm.s32 @!p0 $0x1C0D  }
0x88: {  	[timem:s3], [sflag:s2] =	dma.local @!p0 [hbm:s0], s1  }
0x89: {  	s0 =	simm.s32 @!p0 $0xD  }
0x8a: {  	_ =	swait.ge @!p0 [sflag:s0], s1  }
0x8b: {  	s1 =	ssub.s32 @!p0 $0x0, s1;
	[sflag:s0] =	ssyncset.done @!p0 $0x0  }
0x8c: {  	[sflag:s0] =	ssyncadd.s32 @!p0 s1  }
0x8d: {  	[bflag:$0x3] =	sbarrier.arrive $0xFFFF  }
0x8e: {  	_ =	shalt  }

// kernel: sparse-core-data-format-call.1.cloned.1.call-start
scs
called_computation.1_lowered:
.L_overlay_start_0:
0x0: {  	s2 =	sld [smem:$0x3FD9]  }
0x1: {  	s3 =	sld [smem:$0x3FFE];
	_ =	sdelay $0x1  }
0x2: {  	s1 =	srdreg.scid  }
0x3: {  	s0 =	sand.u32 $0x1, s1  }
0x4: {  	s18 =	sshll.u32 s0, $0xA;
	s2 =	sadd.s32 s3, s2  }
0x5: {  	s2 =	sadd.s32 s2, s18  }
0x6: {  	[smem:$0x3FC6] =	sst s2  }
0x7: {  	_ = 	snop  }
0x8: {  	s2 =	sld [smem:$0x3FC8];
	(tm) =	ssettm $0x1  }
0x9: {  	s19 =	sld [smem:$0x3FFB];
	_ =	sdelay $0x3  }
0xa: {  	_ =	strace s19  }
0xb: {  	s3 =	sld [smem:$0x3FFC];
	_ =	sdelay $0x3  }
0xc: {  	_ =	strace s3  }
0xd: {  	s3 =	sld [smem:$0x3FFD];
	_ =	sdelay $0x3  }
0xe: {  	_ =	strace s3  }
0xf: {  	_ =	strace $0x8FFFFFFF  }
0x10: {  	s20 =	sld [smem:$0x3FDB];
	_ =	sdelay $0x1  }
0x11: {  	s4 =	simm.s32 $_scs_section_size  }
0x12: {  	s5 =	simm.s32 $_size__tile_overlayer_lowered;
	s6 =	simm.s32 $_tile_overlayer_lowered  }
0x13: {  	s23 =	simm.s32 $0x1BFF;
	s22 =	sshll.u32 s6, $0x1;
	s3 =	sadd.s32 s4, s20  }
0x14: {  	s7 =	simm.s32 $0x0;
	s21 =	sshll.u32 s5, $0x1;
	s5 =	sadd.s32 s22, s3  }
0x15: {  	[timem:s7], [sflag:s23] =	dma.local [hbm:s5], s21  }
0x16: {  	_ =	swait.ge [sflag:s23], s21  }
0x17: {  	s4 =	ssub.s32 $0x0, s21;
	[sflag:s23] =	ssyncset.done $0x0  }
0x18: {  	[sflag:s23] =	ssyncadd.s32 s4;
	_ =	sdelay $0x1  }
0x19: {  	s24 =	simm.s32 $0x1B8B  }
0x1a: {  	_ =	swait.ge [sflag:s24], $0x1  }
0x1b: {  	[sflag:s24] =	ssyncset.done $0x0  }
0x1c: {  	s26 =	simm.s32 $0x1B8E;
	s25 =	sld [smem:$0x3FFE];
	[sflag:s24] =	ssyncadd.s32 $0xFFFFFFFF  }
0x1d: {  	s27 =	simm.s32 $execute0_lowered;
	[smem:$0x3FD2] =	sst s26  }
0x1e: {  	s5 =	sshll.u32 s27, $0x1;
	_ =	strace $0x80000046;
	[dreg:$0x1] =	wrdreg $0xFFFFFFFF  }
0x1f: {  	s28 =	simm.s32 $_size_execute0_lowered;
	s3 =	sadd.s32 s3, s5;
	[dreg:$0x0] =	wrdreg $0x0  }
0x20: {  	s5 =	sshll.u32 s28, $0x1;
	[dreg:$0x2] =	wrdreg s3  }
0x21: {  	[dreg:$0x3] =	wrdreg s5  }
0x22: {  	[dreg:$0x4] =	wrdreg $0xC0  }
0x23: {  	_ =	task [dreg:s7], $0x5FFFF  }
0x24: {  	[dreg:$0x1] =	wrdreg $0xFFFFFFFF  }
0x25: {  	[dreg:$0x0] =	wrdreg $0x60  }
0x26: {  	[dreg:$0x2] =	wrdreg s2  }
0x27: {  	[dreg:$0x3] =	wrdreg s25  }
0x28: {  	[dreg:$0x4] =	wrdreg $0x9  }
0x29: {  	_ =	task.clear_ibuf [dreg:s7], $0x5FFFF;
	_ =	strace $0x90000046  }
0x2a: {  	s29 =	simm.s32 $0x9;
	_ =	strace $0x80000048  }
0x2b: {  	_ =	swait.ge [sflag:s29], $0x1  }
0x2c: {  	[sflag:s29] =	ssyncadd.s32 $0xFFFFFFFF  }
0x2d: {  	_ =	strace $0x90000048  }
0x2e: {  	_ =	sfence  }
0x2f: {  	s30 =	sld [smem:$0x0];
	_ =	sdelay $0x2  }
0x30: {  	s31 =	sshll.u32 s1, $0xD;
	s1 =	sshrl.u32 s1, $0x2  }
0x31: {  	s3 =	sand.u32 $0x4000, s31;
	s1 =	sadd.s32 s1, s30  }
0x32: {  	s0 =	sor.u32 s3, s0;
	s1 =	sshll.u32 s1, $0x11  }
0x33: {  	s0 =	sor.u32 s1, s0  }
0x34: {  	s0 =	sadd.s32 $0x8F2B, s0  }
0x35: {  	[sflag:s0] =	ssyncadd.remote.s32 $0x1  }
0x36: {  	_ =	sfence.sel $0xFFFF  }
0x37: {  	[dreg:$0x0] =	wrdreg $0xFFFFFFFF;
	(pc) =	sbr.abs _section_cstart, $3  }
0x38: {  	[dreg:$0x1] =	wrdreg $0xFFFFFFFF  }
0x39: {  	_ =	task.clear_ibuf [dreg:s7], $0x2FFFF;
	_ =	strace $0x9FFFFFFF  }
0x3a: {  	(tm) =	ssettm $0x7FFFFFFF  }
0x3b: {  	_ =	shalt  }
tec
execute0_lowered:
.L_overlay_start_1:
0x0: {  	(tag) =	ssettag $0x1  }
0x1: {  	s0 =	srdreg.scid;
	s2 =	rddreg [dreg:$0x0]  }
0x2: {  	s5 =	rddreg [dreg:$0x1];
	s1 =	stileid.u32  }
0x3: {  	s4 =	simm.s32 $0x1;
	s6 =	simm.s32 $0x2;
	s15 =	simm.s32 $0x0  }
0x4: {  	p0 =	por $0x0, $0x0;
	s8 =	simm.s32 $0x80;
	s0 =	sshll.u32 s0, $0x4  }
0x5: {  	s14 =	simm.s32 $0x0;
	s9 =	simm.s32 $0x0;
	s3 =	sand.u32 $0x10, s0  }
.Ltmp0:
0x6: {  	s10 =	simm.s32 $0x0;
	s3 =	sor.u32 s1, s3;
	(pc) =	sbr.rel .LBB1_1-.Ltmp0, $4  }
0x7: {  	s0 =	rddreg [dreg:$0x2];
	_ =	strace $0x80000047;
	s3 =	sshll.u32 s3, $0x7  }
0x8: {  	s12 =	simm.s32 $0x0;
	[sflag:s4] =	ssyncpa.u1 $0x0;
	s7 =	ssub.s32 $0xF4200, s3  }
0x9: {  	s13 =	simm.s32 $0x0;
	[sflag:s6] =	ssyncpa.u1 $0x0;
	s6 =	sshrl.u32 s7, $0xC  }
0xa: {  	s5 =	sadd.s32 $0xE00, s5;
	s11 =	smov.u32 s3;
	s7 =	sadd.s32 $0x2, s6  }
.LBB1_5:
0xb: {  	p1 =	slt.u32 s13, $0x2  }
0xc: {  	s17 =	smov.u32 s15;
	p2 =	sgt.s32 @!p1 s15, $0xF41C0;
	s16 =	sshra.s32 @!p1 s15, $0x1F  }
0xd: {  	p3 =	sgt.s32 @!p1 s14, $0x40;
	s18 =	sshra.s32 @!p1 s14, $0x1F;
	p2 =	por !p2, p1  }
0xe: {  	s15 =	sand.u32 @!p1 s16, s15;
	p3 =	por !p3, p1;
	s16 =	smov.u32 s14  }
0xf: {  	s14 =	sand.u32 @!p1 s18, s14;
	s17 =	simm.s32 @p2 $0xF41C0;
	s16 =	simm.s32 @p3 $0x40  }
0x10: {  	s15 =	ssub.s32 @!p1 s17, s15;
	s14 =	ssub.s32 @!p1 s16, s14  }
0x11: {  	s18 =	smov.u32 s12;
	s16 =	sadd.s32 @!p1 $0xFFF0BE40, s15;
	s17 =	sadd.s32 @!p1 $0xFFFFFFC0, s14  }
0x12: {  	s15 =	ssub.s32 @!p1 $0xF4240, s15;
	p2 =	sgt.s32 @!p1 s16, $0x7F;
	p3 =	sgt.s32 @!p1 s17, $0x3F  }
0x13: {  	s14 =	ssub.s32 @!p1 $0x80, s14;
	p2 =	por !p2, p1;
	p3 =	por !p3, p1  }
0x14: {  	s16 =	sadd.s32 $0x1000, s11;
	s15 =	simm.s32 @!p2 $0x0;
	s14 =	simm.s32 @!p3 $0x0  }
0x15: {  	p2 =	sgt.s32 s16, $0xF423F;
	s14 =	smul.u32 @!p1 s14, s15;
	s15 =	sadd.s32 $0x40, s12  }
0x16: {  	s18 =	smov.u32 @p2 s15  }
0x17: {  	s16 =	smov.u32 @p2 s3;
	p2 =	sgt.s32 s18, $0x3F  }
0x18: {  	s18 =	simm.s32 @p2 $0x0;
	p2 =	sne.s32 s13, s7  }
.Ltmp1:
0x19: {  	p0 =	por !p0, !p0;
	s17 =	simm.s32 @!p1 $0x2;
	(pc) =	sbr.rel @!p2 .LBB1_6-.Ltmp1, $4  }
0x1a: {  	s15 =	smov.u32 s9;
	s9 =	smov.u32 s11;
	s14 =	sand.u32 @!p1 $0x3FFFFFFF, s14  }
0x1b: {  	s11 =	smov.u32 s16;
	_ =	swait.ge @!p1 [sflag:s17], s14;
	s19 =	ssub.s32 @!p1 $0x0, s14  }
0x1c: {  	s14 =	smov.u32 s10;
	s13 =	sadd.s32 $0x1, s13;
	[sflag:s17] =	ssyncset.done @!p1 $0x0  }
0x1d: {  	s10 =	smov.u32 s12;
	s12 =	smov.u32 s18;
	[sflag:s17] =	ssyncadd.s32 @!p1 s19  }
.LBB1_1:
0x1e: {  	p1 =	sgt.u32 s13, s6  }
0x1f: {  	s16 =	sshrl.u32 @!p1 s12, $0x3  }
0x20: {  	s17 =	sshll.u32 @!p1 s11, $0x3;
	s16 =	smul.u32 @!p1 $0x7A1400, s16  }
0x21: {  	s18 =	sshll.u32 @!p1 s12, $0x7;
	s17 =	sand.u32 @!p1 $0xFFFFFC00, s17  }
0x22: {  	s16 =	sadd.s32 @!p1 s16, s17;
	s17 =	sand.u32 @!p1 $0x380, s18  }
0x23: {  	s18 =	sand.u32 @!p1 $0x7F, s11;
	s16 =	sor.u32 @!p1 s17, s16  }
0x24: {  	s17 =	sor.u32 @!p1 s18, s16  }
0x25: {  	s18 =	smulhi.u32 @!p1 $0x218D6287, s17;
	_ =	sdelay $0x1  }
0x26: {  	s16 =	smulhi.u32 @!p1 $0x218D6287, s16;
	s18 =	sshrl.u32 @!p1 s18, $0x11  }
0x27: {  	s18 =	smul.u32 @!p1 $0xF4280, s18  }
0x28: {  	s19 =	sxor.u32 @!p1 $0xFFFFFFFF, s13;
	s16 =	sshrl.u32 @!p1 s16, $0x11  }
0x29: {  	s19 =	sshll.u32 @!p1 s19, $0xD;
	s16 =	sand.u32 @!p1 $0x3F, s16;
	s17 =	ssub.s32 @!p1 s17, s18  }
0x2a: {  	s16 =	smul.u32 @!p1 $0x1E850, s16;
	s18 =	sshrl.u32 @!p1 s17, $0x3;
	s17 =	sand.u32 @!p1 $0x7, s17  }
0x2b: {  	s19 =	sand.u32 @!p1 $0x2000, s19;
	s18 =	sadd.s32 @!p1 s2, s18;
	s17 =	sshll.u32 @!p1 s17, $0x12  }
0x2c: {  	s16 =	sadd.s32 @!p1 s16, s18;
	s17 =	sor.u32 @!p1 $0x400, s17;
	s18 =	simm.s32 @!p1 $0x7A1400  }
0x2d: {  	[tilespmem:s19], [sflag:$0x1] =	stream.strided.gather @!p1 [hbm4b:s16+s17], $0x2000, s18, s17, $0x38;
	[tilespmem:$0x8100] =	vst v63  }
0x2e: {  	p1 =	seq.s32 s13, $0x0  }
0x2f: {  	p2 =	sge.u32 @!p1 s13, s7  }
0x30: {  	p1 =	por p1, p2  }
.Ltmp2:
0x31: {  	_ = 	snop;
	(pc) =	sbr.rel @p1 .LBB1_5-.Ltmp2, $1  }
0x32: {  	_ =	sdelay $0x3  }
0x33: {  	s16 =	simm.s32 $0x1  }
0x34: {  	_ =	swait.ge [sflag:s4], $0x2000;
	s16 =	simm.s32 @!p0 $0x0  }
0x35: {  	[sflag:s4] =	ssyncset.done $0x0;
	s17 =	sshll.u32 s16, $0xD  }
0x36: {  	[sflag:s4] =	ssyncadd.s32 $0xFFFFE000;
	s17 =	sor.u32 $0x40, s17  }
0x37: {  	s16 =	smul.u32 $0x8200, s16;
	v0 =	vld [tilespmem:s17+$0x30]  }
0x38: {  	v1 =	vld [tilespmem:s17+$0xFFFFFFD0]  }
0x39: {  	s16 =	sshrl.u32 s16, $0x2;
	v5 =	vld [tilespmem:s17+$0xFFFFFFE0]  }
0x3a: {  	v6 =	vld [tilespmem:s17+$0xFFFFFFF0];
	s19 =	sor.u32 $0x4000, s16  }
0x3b: {  	s31 =	sand.u32 $0x1, s13;
	v4 =	vld [tilespmem:s17+$0x0];
	s18 =	sadd.s32 $0x0, s19  }
0x3c: {  	v3 =	vld [tilespmem:s17+$0x10];
	s16 =	smul.u32 $0x8200, s31;
	[tilespmem:s18+$0x1C70 ss:$0x41] =	vst.msk $0xffff, v0  }
0x3d: {  	v2 =	vld [tilespmem:s17+$0x20];
	[tilespmem:s18+$0x410 ss:$0x41] =	vst.msk $0xffff, v1  }
0x3e: {  	s16 =	sshrl.u32 s16, $0x2;
	v1 =	vld [tilespmem:s17+$0xFFFFFFC0];
	[tilespmem:s18+$0x820 ss:$0x41] =	vst.msk $0xffff, v5;
	s17 =	sadd.s32 $0x80, s17  }
0x3f: {  	s20 =	simm.s32 $0x4;
	s21 =	simm.s32 $0x8;
	s16 =	sor.u32 $0x4000, s16;
	[tilespmem:s18+$0xC30 ss:$0x41] =	vst.msk $0xffff, v6;
	v0 =	vld [tilespmem:s17+$0x30]  }
.LBB1_3:
0x40: {  	p1 =	sne.s32 s21, $0xFC;
	v5 =	vld [tilespmem:s17+$0xFFFFFFD0];
	[tilespmem:s18+$0x1040 ss:$0x41] =	vst.msk $0xffff, v4  }
0x41: {  	v6 =	vld [tilespmem:s17+$0xFFFFFFE0];
	[tilespmem:s18+$0x1450 ss:$0x41] =	vst.msk $0xffff, v3  }
0x42: {  	s22 =	sshra.s32 s20, $0x2;
	s20 =	smov.u32 s21;
	v7 =	vld [tilespmem:s17+$0xFFFFFFF0];
	[tilespmem:s18+$0x1860 ss:$0x41] =	vst.msk $0xffff, v2  }
.Ltmp3:
0x43: {  	v4 =	vld [tilespmem:s17+$0x0];
	[tilespmem:s18+$0x0 ss:$0x41] =	vst.msk $0xffff, v1;
	s18 =	sadd.s32 s22, s19;
	(pc) =	sbr.rel @p1 .LBB1_3-.Ltmp3, $4  }
0x44: {  	v3 =	vld [tilespmem:s17+$0x10];
	[tilespmem:s18+$0x1C70 ss:$0x41] =	vst.msk $0xffff, v0  }
0x45: {  	[tilespmem:s18+$0x410 ss:$0x41] =	vst.msk $0xffff, v5;
	v2 =	vld [tilespmem:s17+$0x20]  }
0x46: {  	v1 =	vld [tilespmem:s17+$0xFFFFFFC0];
	[tilespmem:s18+$0x820 ss:$0x41] =	vst.msk $0xffff, v6;
	s17 =	sadd.s32 $0x80, s17  }
0x47: {  	s21 =	sadd.s32 $0x4, s21;
	v0 =	vld [tilespmem:s17+$0x30];
	[tilespmem:s18+$0xC30 ss:$0x41] =	vst.msk $0xffff, v7  }
0x48: {  	s21 =	sshll.u32 s9, $0x7;
	s22 =	sshll.u32 s10, $0x3;
	s20 =	sshra.s32 s20, $0x2  }
0x49: {  	p1 =	sgt.s32 s9, $0xF41C0;
	s30 =	sshra.s32 s9, $0x1F;
	s25 =	sshra.s32 s10, $0x1F  }
0x4a: {  	v5 =	vld [tilespmem:s17+$0xFFFFFFD0];
	s28 =	sshrl.u32 s10, $0x3;
	s23 =	sand.u32 $0xFFFFFC00, s21;
	s22 =	sand.u32 $0xFFFFFC00, s22  }
0x4b: {  	[tilespmem:s18+$0x1040 ss:$0x41] =	vst.msk $0xffff, v4;
	v58 =	vld [tilespmem:s17+$0xFFFFFFE0];
	s21 =	sand.u32 $0x380, s21;
	s19 =	sadd.s32 s20, s19;
	s22 =	sadd.s32 s22, s23  }
0x4c: {  	v59 =	vld [tilespmem:s17+$0xFFFFFFF0];
	[tilespmem:s18+$0x1450 ss:$0x41] =	vst.msk $0xffff, v3;
	s29 =	sor.u32 s21, s22;
	s21 =	smov.u32 s9;
	s22 =	sand.u32 s30, s9  }
0x4d: {  	v60 =	vld [tilespmem:s17+$0x0];
	[tilespmem:s18+$0x1860 ss:$0x41] =	vst.msk $0xffff, v2;
	s30 =	sand.u32 $0x7, s10;
	s20 =	sshrl.u32 s29, $0x7;
	s21 =	simm.s32 @!p1 $0xF41C0  }
0x4e: {  	v61 =	vld [tilespmem:s17+$0x10];
	[tilespmem:s18+$0x0 ss:$0x41] =	vst.msk $0xffff, v1;
	p1 =	sgt.s32 s10, $0x40;
	s24 =	ssub.s32 s21, s22;
	s21 =	smov.u32 s10  }
0x4f: {  	v62 =	vld [tilespmem:s17+$0x20];
	[tilespmem:s19+$0x1C70 ss:$0x41] =	vst.msk $0xffff, v0;
	s31 =	smulhi.u32 $0x218DEF5, s20;
	s22 =	sand.u32 s25, s10;
	s21 =	simm.s32 @!p1 $0x40  }
0x50: {  	v63 =	vld [tilespmem:s17+$0xFFFFFFC0];
	[tilespmem:s19+$0x410 ss:$0x41] =	vst.msk $0xffff, v5;
	s26 =	sadd.s32 $0xFFF0BE40, s24;
	s17 =	ssub.s32 $0xF4240, s24;
	s21 =	ssub.s32 s21, s22  }
0x51: {  	[tilespmem:s19+$0x820 ss:$0x41] =	vst.msk $0xffff, v58;
	s23 =	sshrl.u32 s31, $0xD;
	p1 =	sgt.s32 s26, $0x7F;
	s27 =	sadd.s32 $0xFFFFFFC0, s21  }
0x52: {  	[tilespmem:s19+$0xC30 ss:$0x41] =	vst.msk $0xffff, v59;
	s23 =	smul.u32 $0xF4240, s23;
	s18 =	ssub.s32 $0x80, s21;
	p2 =	sgt.s32 s27, $0x3F  }
.Ltmp4:
0x53: {  	[tilespmem:s19+$0x1040 ss:$0x41] =	vst.msk $0xffff, v60;
	s17 =	simm.s32 @p1 $0x0;
	s18 =	simm.s32 @p2 $0x0;
	(pc) =	sbr.rel .LBB1_5-.Ltmp4, $4  }
0x54: {  	s29 =	sand.u32 $0xF, s28;
	[tilespmem:s19+$0x1450 ss:$0x41] =	vst.msk $0xffff, v61;
	s20 =	ssub.s32 s20, s23;
	s17 =	smul.u32 s18, s17  }
0x55: {  	[tilespmem:s19+$0x1860 ss:$0x41] =	vst.msk $0xffff, v62;
	s21 =	sshll.u32 s30, $0x12;
	s20 =	sshll.u32 s20, $0x4;
	s18 =	sadd.s32 s5, s29  }
0x56: {  	[tilespmem:s19+$0x0 ss:$0x41] =	vst.msk $0xffff, v63;
	s31 =	sor.u32 $0x40, s21;
	s18 =	sadd.s32 s20, s18;
	s17 =	sand.u32 $0x3FFFFFFF, s17  }
0x57: {  	[hbm4b:s18+s31] =	stream.strided.scatter [tilespmem:s16], [sflag:$0x2], s17, s8, s31, $0x18;
	[tilespmem:$0x8100] =	vst v63  }
.LBB1_6:
0x58: {  	_ =	sfence.sel $0x180000  }
0x59: {  	s2 =	simm.s32 $0x1;
	[bflag:$0x0] =	sbarrier.arrive $0xFFFF  }
0x5a: {  	s31 =	simm.s32 $0x2;
	[sflag:s2] =	ssyncpa.u1 $0x1  }
0x5b: {  	[sflag:s31] =	ssyncpa.u1 $0x1  }
0x5c: {  	p0 =	sne.s32 s1, $0x0;
	_ =	strace $0x90000047  }
0x5d: {  	s0 =	sadd.s32 @!p0 $0x100000, s0;
	[bflag:$0x2] =	sbarrier.arrive $0xFFFF  }
0x5e: {  	[sflag:s0] =	ssyncadd.tile.s32 @!p0 $0x1;
	_ =	shalt  }
.Lfunc_end1:
_tile_overlayer_lowered:
.L_overlay_start_2:
0x5f: {  	(tag) =	ssettag $0x2  }
0x60: {  	s0 =	rddreg [dreg:$0x0];
	s2 =	stileid.u32  }
0x61: {  	s1 =	rddreg [dreg:$0x1];
	p0 =	sne.s32 s2, $0x0  }
0x62: {  	s3 =	rddreg [dreg:$0x2];
	[bflag:$0x3] =	sbarrier.arrive $0xFFFF;
	s2 =	simm.s32 @!p0 $0x1C01  }
0x63: {  	[timem:s3], [sflag:s2] =	dma.local @!p0 [hbm:s0], s1  }
0x64: {  	s0 =	simm.s32 @!p0 $0x1  }
0x65: {  	_ =	swait.ge @!p0 [sflag:s0], s1  }
0x66: {  	s1 =	ssub.s32 @!p0 $0x0, s1;
	[sflag:s0] =	ssyncset.done @!p0 $0x0  }
0x67: {  	[sflag:s0] =	ssyncadd.s32 @!p0 s1  }
0x68: {  	[bflag:$0x3] =	sbarrier.arrive $0xFFFF  }
0x69: {  	_ =	shalt  }

// kernel: sparse-core-data-format-call.cloned.1.call-start
scs
called_computation_lowered:
.L_overlay_start_0:
0x0: {  	s2 =	sld [smem:$0x3FD9]  }
0x1: {  	s3 =	sld [smem:$0x3FFE];
	_ =	sdelay $0x1  }
0x2: {  	s1 =	srdreg.scid  }
0x3: {  	s0 =	sand.u32 $0x1, s1  }
0x4: {  	s18 =	sshll.u32 s0, $0xA;
	s2 =	sadd.s32 s3, s2  }
0x5: {  	s2 =	sadd.s32 s2, s18  }
0x6: {  	[smem:$0x3FC6] =	sst s2  }
0x7: {  	_ = 	snop  }
0x8: {  	s2 =	sld [smem:$0x3FD0];
	(tm) =	ssettm $0x1  }
0x9: {  	s19 =	sld [smem:$0x3FFB];
	_ =	sdelay $0x3  }
0xa: {  	_ =	strace s19  }
0xb: {  	s3 =	sld [smem:$0x3FFC];
	_ =	sdelay $0x3  }
0xc: {  	_ =	strace s3  }
0xd: {  	s3 =	sld [smem:$0x3FFD];
	_ =	sdelay $0x3  }
0xe: {  	_ =	strace s3  }
0xf: {  	_ =	strace $0x8FFFFFFF  }
0x10: {  	s20 =	sld [smem:$0x3FDB];
	_ =	sdelay $0x1  }
0x11: {  	s4 =	simm.s32 $_scs_section_size  }
0x12: {  	s5 =	simm.s32 $_size__tile_overlayer_lowered;
	s6 =	simm.s32 $_tile_overlayer_lowered  }
0x13: {  	s23 =	simm.s32 $0x1BFF;
	s22 =	sshll.u32 s6, $0x1;
	s3 =	sadd.s32 s4, s20  }
0x14: {  	s7 =	simm.s32 $0x0;
	s21 =	sshll.u32 s5, $0x1;
	s5 =	sadd.s32 s22, s3  }
0x15: {  	[timem:s7], [sflag:s23] =	dma.local [hbm:s5], s21  }
0x16: {  	_ =	swait.ge [sflag:s23], s21  }
0x17: {  	s4 =	ssub.s32 $0x0, s21;
	[sflag:s23] =	ssyncset.done $0x0  }
0x18: {  	[sflag:s23] =	ssyncadd.s32 s4;
	_ =	sdelay $0x1  }
0x19: {  	s24 =	simm.s32 $0x1B8B  }
0x1a: {  	_ =	swait.ge [sflag:s24], $0x1  }
0x1b: {  	[sflag:s24] =	ssyncset.done $0x0  }
0x1c: {  	s26 =	simm.s32 $0x1B8E;
	s25 =	sld [smem:$0x3FFE];
	[sflag:s24] =	ssyncadd.s32 $0xFFFFFFFF  }
0x1d: {  	s27 =	simm.s32 $execute0_lowered;
	[smem:$0x3FD2] =	sst s26  }
0x1e: {  	s5 =	sshll.u32 s27, $0x1;
	_ =	strace $0x8000004C;
	[dreg:$0x1] =	wrdreg $0xFFFFFFFF  }
0x1f: {  	s28 =	simm.s32 $_size_execute0_lowered;
	s3 =	sadd.s32 s3, s5;
	[dreg:$0x0] =	wrdreg $0x0  }
0x20: {  	s5 =	sshll.u32 s28, $0x1;
	[dreg:$0x2] =	wrdreg s3  }
0x21: {  	[dreg:$0x3] =	wrdreg s5  }
0x22: {  	[dreg:$0x4] =	wrdreg $0xC0  }
0x23: {  	_ =	task [dreg:s7], $0x5FFFF  }
0x24: {  	[dreg:$0x1] =	wrdreg $0xFFFFFFFF  }
0x25: {  	[dreg:$0x0] =	wrdreg $0x60  }
0x26: {  	[dreg:$0x2] =	wrdreg s25  }
0x27: {  	[dreg:$0x3] =	wrdreg s2  }
0x28: {  	[dreg:$0x4] =	wrdreg $0x9  }
0x29: {  	_ =	task.clear_ibuf [dreg:s7], $0x5FFFF;
	_ =	strace $0x9000004C  }
0x2a: {  	s29 =	simm.s32 $0x9;
	_ =	strace $0x8000004E  }
0x2b: {  	_ =	swait.ge [sflag:s29], $0x1  }
0x2c: {  	[sflag:s29] =	ssyncadd.s32 $0xFFFFFFFF  }
0x2d: {  	_ =	strace $0x9000004E  }
0x2e: {  	_ =	sfence  }
0x2f: {  	s30 =	sld [smem:$0x0];
	_ =	sdelay $0x2  }
0x30: {  	s31 =	sshll.u32 s1, $0xD;
	s1 =	sshrl.u32 s1, $0x2  }
0x31: {  	s3 =	sand.u32 $0x4000, s31;
	s1 =	sadd.s32 s1, s30  }
0x32: {  	s0 =	sor.u32 s3, s0;
	s1 =	sshll.u32 s1, $0x11  }
0x33: {  	s0 =	sor.u32 s1, s0  }
0x34: {  	s0 =	sadd.s32 $0x8F2B, s0  }
0x35: {  	[sflag:s0] =	ssyncadd.remote.s32 $0x1  }
0x36: {  	_ =	sfence.sel $0xFFFF  }
0x37: {  	[dreg:$0x0] =	wrdreg $0xFFFFFFFF;
	(pc) =	sbr.abs _section_cstart, $3  }
0x38: {  	[dreg:$0x1] =	wrdreg $0xFFFFFFFF  }
0x39: {  	_ =	task.clear_ibuf [dreg:s7], $0x2FFFF;
	_ =	strace $0x9FFFFFFF  }
0x3a: {  	(tm) =	ssettm $0x7FFFFFFF  }
0x3b: {  	_ =	shalt  }
tec
execute0_lowered:
.L_overlay_start_1:
0x0: {  	(tag) =	ssettag $0x1  }
0x1: {  	s0 =	srdreg.scid  }
0x2: {  	s1 =	sshll.u32 s0, $0x4  }
0x3: {  	s0 =	stileid.u32;
	s1 =	sand.u32 $0x10, s1  }
0x4: {  	s1 =	sor.u32 s0, s1  }
0x5: {  	s6 =	rddreg [dreg:$0x0];
	s4 =	simm.s32 $0x1;
	s2 =	sshll.u32 s1, $0x7  }
0x6: {  	s7 =	simm.s32 $0x2;
	s12 =	simm.s32 $0x0;
	s1 =	ssub.s32 $0x1000, s2  }
0x7: {  	s8 =	simm.s32 $0x8000;
	s13 =	simm.s32 $0x0;
	s3 =	sand.u32 $0xF80, s1  }
0x8: {  	s9 =	simm.s32 $0x0;
	s5 =	sshrl.u32 s1, $0xC;
	p0 =	sne.s32 s3, $0x0  }
.Ltmp0:
0x9: {  	s1 =	rddreg [dreg:$0x2];
	s4 =	simm.s32 @!p0 $0x0;
	(pc) =	sbr.rel .LBB1_1-.Ltmp0, $4  }
0xa: {  	s11 =	simm.s32 $0x0;
	s3 =	rddreg [dreg:$0x1];
	s5 =	sadd.s32 s4, s5  }
0xb: {  	_ =	strace $0x8000004D;
	s4 =	simm.s32 $0x1;
	s5 =	smul.u32 $0xC8, s5  }
0xc: {  	s6 =	sadd.s32 $0xE00, s6;
	s10 =	smov.u32 s2;
	[sflag:s4] =	ssyncpa.u1 $0x0  }
0xd: {  	p0 =	por $0x0, $0x0;
	[sflag:s7] =	ssyncpa.u1 $0x0;
	s7 =	sor.u32 $0x1, s5  }
.LBB1_4:
0xe: {  	s16 =	sshll.u32 s13, $0x3;
	s17 =	sand.u32 $0x78, s13  }
0xf: {  	s30 =	sand.u32 $0x7E00, s13;
	s12 =	sshll.u32 s12, $0xF;
	s16 =	sand.u32 $0xC00, s16  }
0x10: {  	[tilespmem:s15+$0x810 ss:$0x81] =	vst.msk $0xffff, v2;
	s31 =	sand.u32 $0x7, s13;
	s16 =	sor.u32 s17, s16;
	s17 =	sadd.s32 s3, s30  }
0x11: {  	[tilespmem:s15+$0x1020 ss:$0x81] =	vst.msk $0xffff, v0;
	s13 =	sshll.u32 s31, $0x12;
	s12 =	sadd.s32 s12, s17;
	s16 =	sshrl.u32 s16, $0x3  }
0x12: {  	[tilespmem:s15+$0x0 ss:$0x81] =	vst.msk $0xffff, v1;
	s13 =	sor.u32 $0x400, s13;
	s12 =	sadd.s32 s16, s12  }
0x13: {  	[hbm4b:s12+s13] =	stream.strided.scatter [tilespmem:s14], [sflag:$0x2], $0x2000, s8, s13, $0x20;
	[tilespmem:$0x8080] =	vst v63  }
.LBB1_5:
0x14: {  	s14 =	sadd.s32 $0x1, s9  }
0x15: {  	s12 =	sadd.s32 $0x1000, s10;
	s16 =	smov.u32 s10;
	p2 =	sgt.s32 s14, $0xC7  }
0x16: {  	s16 =	smov.u32 @p2 s12  }
0x17: {  	s14 =	simm.s32 @p2 $0x0;
	p2 =	sgt.s32 s16, $0xFFF  }
0x18: {  	s16 =	smov.u32 @p2 s2;
	p2 =	sne.s32 s11, s7  }
.Ltmp1:
0x19: {  	p1 =	slt.u32 s11, $0x2;
	(pc) =	sbr.rel @!p2 .LBB1_6-.Ltmp1, $4  }
0x1a: {  	s15 =	simm.s32 @!p1 $0x2  }
0x1b: {  	s13 =	smov.u32 s10;
	p0 =	por !p0, !p0;
	_ =	swait.ge @!p1 [sflag:s15], $0x2000  }
0x1c: {  	s12 =	smov.u32 s9;
	[sflag:s15] =	ssyncset.done @!p1 $0x0;
	s9 =	smov.u32 s14  }
0x1d: {  	s11 =	sadd.s32 $0x1, s11;
	[sflag:s15] =	ssyncadd.s32 @!p1 $0xFFFFE000;
	s10 =	smov.u32 s16  }
.LBB1_1:
0x1e: {  	p1 =	sge.u32 s11, s5  }
0x1f: {  	s14 =	sand.u32 @!p1 $0x1FFFFFF, s9  }
0x20: {  	s15 =	smulhi.u32 @!p1 $0x147AE15, s14;
	_ =	sdelay $0x1  }
0x21: {  	s15 =	smul.u32 @!p1 $0xC8, s15  }
0x22: {  	s16 =	sxor.u32 @!p1 $0xFFFFFFFF, s11;
	s17 =	smul.u32 @!p1 $0xC80, s10  }
0x23: {  	s31 =	sadd.s32 $0xFFFFFFFF, s11;
	s16 =	sshll.u32 @!p1 s16, $0xD;
	s14 =	ssub.s32 @!p1 s14, s15  }
0x24: {  	s15 =	sand.u32 @!p1 $0x2000, s16;
	s16 =	sadd.s32 @!p1 s6, s17;
	s14 =	sshll.u32 @!p1 s14, $0x4  }
0x25: {  	s17 =	simm.s32 @!p1 $0x6400;
	s14 =	sadd.s32 @!p1 s14, s16;
	s16 =	simm.s32 @!p1 $0x40  }
0x26: {  	[tilespmem:s15], [sflag:$0x1] =	stream.strided.gather @!p1 [hbm4b:s14+s16], $0x2000, s17, s16, $0x38;
	[tilespmem:$0x8080] =	vst v63  }
0x27: {  	p1 =	sge.u32 s31, s5  }
.Ltmp2:
0x28: {  	_ = 	snop;
	(pc) =	sbr.rel @p1 .LBB1_5-.Ltmp2, $1  }
0x29: {  	_ =	sdelay $0x3  }
0x2a: {  	s14 =	simm.s32 $0x1  }
0x2b: {  	_ =	swait.ge [sflag:s4], $0x2000;
	s14 =	simm.s32 @!p0 $0x0  }
0x2c: {  	[sflag:s4] =	ssyncset.done $0x0;
	s15 =	sshll.u32 s14, $0xD  }
0x2d: {  	[sflag:s4] =	ssyncadd.s32 $0xFFFFE000;
	s18 =	sor.u32 $0x20, s15  }
0x2e: {  	s14 =	smul.u32 $0x8100, s14;
	v3 =	vld [tilespmem:s18+$0x10]  }
0x2f: {  	s30 =	sand.u32 $0x1, s11;
	v2 =	vld [tilespmem:s18+$0xFFFFFFF0]  }
0x30: {  	s15 =	smul.u32 $0x8100, s30;
	s14 =	sshrl.u32 s14, $0x2;
	v0 =	vld [tilespmem:s18+$0x0]  }
0x31: {  	v1 =	vld [tilespmem:s18+$0xFFFFFFE0];
	s16 =	sor.u32 $0x4000, s14  }
0x32: {  	s31 =	sshrl.u32 s15, $0x2;
	s15 =	sadd.s32 $0x0, s16  }
0x33: {  	s17 =	simm.s32 $0x4;
	s18 =	sadd.s32 $0x40, s18;
	s14 =	sor.u32 $0x4000, s31;
	[tilespmem:s15+$0x1830 ss:$0x81] =	vst.msk $0xffff, v3  }
.LBB1_3:
0x34: {  	v3 =	vld [tilespmem:s18+$0x10];
	p1 =	sne.s32 s17, $0x1FC;
	[tilespmem:s15+$0x810 ss:$0x81] =	vst.msk $0xffff, v2;
	s19 =	smov.u32 s17;
	s17 =	sadd.s32 $0x4, s17  }
.Ltmp3:
0x35: {  	v2 =	vld [tilespmem:s18+$0xFFFFFFF0];
	[tilespmem:s15+$0x1020 ss:$0x81] =	vst.msk $0xffff, v0;
	(pc) =	sbr.rel @p1 .LBB1_3-.Ltmp3, $4  }
0x36: {  	v0 =	vld [tilespmem:s18+$0x0];
	[tilespmem:s15+$0x0 ss:$0x81] =	vst.msk $0xffff, v1  }
0x37: {  	s15 =	sshra.s32 s19, $0x2;
	v1 =	vld [tilespmem:s18+$0xFFFFFFE0]  }
0x38: {  	s15 =	sadd.s32 s15, s16  }
0x39: {  	s18 =	sadd.s32 $0x40, s18;
	[tilespmem:s15+$0x1830 ss:$0x81] =	vst.msk $0xffff, v3  }
.Ltmp4:
0x3a: {  	_ = 	snop;
	(pc) =	sbr.rel .LBB1_4-.Ltmp4, $1  }
0x3b: {  	_ =	sdelay $0x3  }
.LBB1_6:
0x3c: {  	_ =	sfence.sel $0x180000  }
0x3d: {  	s2 =	simm.s32 $0x1;
	[bflag:$0x0] =	sbarrier.arrive $0xFFFF  }
0x3e: {  	s31 =	simm.s32 $0x2;
	[sflag:s2] =	ssyncpa.u1 $0x1  }
0x3f: {  	[sflag:s31] =	ssyncpa.u1 $0x1  }
0x40: {  	p0 =	sne.s32 s0, $0x0;
	_ =	strace $0x9000004D  }
0x41: {  	s0 =	sadd.s32 @!p0 $0x100000, s1;
	[bflag:$0x2] =	sbarrier.arrive $0xFFFF  }
0x42: {  	[sflag:s0] =	ssyncadd.tile.s32 @!p0 $0x1;
	_ =	shalt  }
.Lfunc_end1:
_tile_overlayer_lowered:
.L_overlay_start_2:
0x43: {  	(tag) =	ssettag $0x2  }
0x44: {  	s0 =	rddreg [dreg:$0x0];
	s2 =	stileid.u32  }
0x45: {  	s1 =	rddreg [dreg:$0x1];
	p0 =	sne.s32 s2, $0x0  }
0x46: {  	s3 =	rddreg [dreg:$0x2];
	[bflag:$0x3] =	sbarrier.arrive $0xFFFF;
	s2 =	simm.s32 @!p0 $0x1C01  }
0x47: {  	[timem:s3], [sflag:s2] =	dma.local @!p0 [hbm:s0], s1  }
0x48: {  	s0 =	simm.s32 @!p0 $0x1  }
0x49: {  	_ =	swait.ge @!p0 [sflag:s0], s1  }
0x4a: {  	s1 =	ssub.s32 @!p0 $0x0, s1;
	[sflag:s0] =	ssyncset.done @!p0 $0x0  }
0x4b: {  	[sflag:s0] =	ssyncadd.s32 @!p0 s1  }
0x4c: {  	[bflag:$0x3] =	sbarrier.arrive $0xFFFF  }
0x4d: {  	_ =	shalt  }

</sc_bundles>
